<compile_context>
chip_gen: v7x
topology: tpu7x:2x2x1
jax: 0.10.2.dev20260603
libtpu: 0.0.44.dev20260713+nightly
codegen_flags: <defaults>
</compile_context>

<pallas_src>
import functools

import numpy as np
import jax
import jax.numpy as jnp
from jax import lax
from jax.experimental import pallas as pl
from jax.experimental.pallas import tpu as pltpu
from jax.experimental.pallas import tpu_sc as plsc

B = 4096
NT = 26
VOCAB = 100000
DIM = 32
NI = NT + 1
TOTAL = B * NT
NW = 32
PER_W = TOTAL // NW
CHUNK = 128
NCH = PER_W // CHUNK

_LI, _LJ = np.tril_indices(NI, k=-1)
_POS = np.asarray(_LI * NI + _LJ, dtype=np.int32)

BB = 512
GRID = B // BB


NROWS = NT * DIM
ROWS_W = NROWS // NW
SEG = 128
NSEG = B // SEG
VROW = VOCAB // 128 * 128
VOCABP = (VOCAB + 127) // 128 * 128
PROWS = VOCABP // 128


def _tc_repack(tabT):
    nt = tabT.shape[0]

    def body(in_ref, out_ref):
        x = in_ref[0]
        for j in range(8):
            row = x[j]
            out_ref[j * PROWS:j * PROWS + VROW // 128, :] = (
                row[:VROW].reshape(VROW // 128, 128))
            out_ref[j * PROWS + VROW // 128, :VOCAB - VROW] = row[VROW:]

    return pl.pallas_call(
        body,
        grid=(nt, 4),
        in_specs=[pl.BlockSpec((1, 8, VOCAB), lambda t, g: (t, g, 0))],
        out_specs=pl.BlockSpec((8 * PROWS, 128), lambda t, g: (t * 4 + g, 0)),
        out_shape=jax.ShapeDtypeStruct((nt * DIM * PROWS, 128), jnp.float32),
    )(tabT)


def _sc_gather(tflat, idx_all):
    mesh = plsc.VectorSubcoreMesh(core_axis_name="c", subcore_axis_name="s")

    nrows = idx_all.shape[0] // B
    rows_w = nrows // NW
    HALF = B // 2
    NU = rows_w * 2

    @functools.partial(
        pl.kernel,
        mesh=mesh,
        out_type=jax.ShapeDtypeStruct((nrows * B,), jnp.float32),
        scratch_types=[
            pltpu.VMEM((HALF,), jnp.int32),
            pltpu.VMEM((HALF,), jnp.int32),
            pltpu.VMEM((rows_w * B,), jnp.float32),
            pltpu.SemaphoreType.DMA,
            pltpu.SemaphoreType.DMA,
        ],
    )
    def run(t_hbm, idx_hbm, out_hbm, idx_a, idx_b, dst, sem0, sem1):
        wid = lax.axis_index("s") * 2 + lax.axis_index("c")
        ibase = wid * rows_w * B

        def drain(sem):
            pltpu.make_async_copy(
                t_hbm.at[pl.ds(0, HALF)], dst.at[pl.ds(0, HALF)], sem).wait()

        def step(u, buf, sem):
            pltpu.sync_copy(idx_hbm.at[pl.ds(ibase + u * HALF, HALF)], buf)
            for seg in range(HALF // SEG):
                pltpu.async_copy(
                    t_hbm.at[buf.at[pl.ds(seg * SEG, SEG)]],
                    dst.at[pl.ds(u * HALF + seg * SEG, SEG)],
                    sem,
                )

        def unit_body(u, c):
            par = lax.rem(u, 2)

            @pl.when(par == 0)
            def _():
                @pl.when(u >= 2)
                def _():
                    drain(sem0)
                step(u, idx_a, sem0)

            @pl.when(par == 1)
            def _():
                @pl.when(u >= 2)
                def _():
                    drain(sem1)
                step(u, idx_b, sem1)

            return c

        lax.fori_loop(0, NU, unit_body, 0)
        drain(sem0)
        drain(sem1)
        pltpu.sync_copy(dst, out_hbm.at[pl.ds(ibase, rows_w * B)])

    return run(tflat, idx_all)


def _tc_body(num_ref, emb_ref, wb0, bb0, wb1, bb1, wb2, bb2,
             w0x, w0f, bt0, wt1, bt1, wt2, bt2, wt3, bt3, wt4, bt4, out_ref):
    bf = jnp.bfloat16
    dot = lambda a, b: lax.dot_general(
        a.astype(bf), b, (((1,), (0,)), ((), ())),
        preferred_element_type=jnp.float32)
    x = num_ref[...]
    x = jnp.maximum(dot(x, wb0[...]) + bb0[...], 0.0)
    x = jnp.maximum(dot(x, wb1[...]) + bb1[...], 0.0)
    x = jnp.maximum(dot(x, wb2[...]) + bb2[...], 0.0)
    feats = jnp.concatenate([x.astype(bf), emb_ref[...]], axis=1)
    f3 = feats.reshape(BB, NI, DIM)
    xact = lax.dot_general(
        f3, f3, (((2,), (2,)), ((0,), (0,))),
        preferred_element_type=jnp.float32)
    xflat = xact.reshape(BB, NI * NI)
    z = jnp.maximum(dot(x, w0x[...]) + dot(xflat, w0f[...]) + bt0[...], 0.0)
    z = jnp.maximum(dot(z, wt1[...]) + bt1[...], 0.0)
    z = jnp.maximum(dot(z, wt2[...]) + bt2[...], 0.0)
    z = jnp.maximum(dot(z, wt3[...]) + bt3[...], 0.0)
    out_ref[...] = dot(z, wt4[...]) + bt4[...]


def _tc_forward(num, emb2, wb0, bb0, wb1, bb1, wb2, bb2,
                w0x, w0f, bt0, wt1, bt1, wt2, bt2, wt3, bt3, wt4, bt4):
    full = lambda a: pl.BlockSpec(a.shape, lambda i: (0,) * a.ndim)
    weights = (wb0, bb0, wb1, bb1, wb2, bb2, w0x, w0f, bt0,
               wt1, bt1, wt2, bt2, wt3, bt3, wt4, bt4)
    return pl.pallas_call(
        _tc_body,
        grid=(GRID,),
        in_specs=[
            pl.BlockSpec((BB, num.shape[1]), lambda i: (i, 0)),
            pl.BlockSpec((BB, emb2.shape[1]), lambda i: (i, 0)),
            *[full(w) for w in weights],
        ],
        out_specs=pl.BlockSpec((BB, 1), lambda i: (i, 0)),
        out_shape=jax.ShapeDtypeStruct((B, 1), jnp.float32),
    )(num, emb2, *weights)


def kernel(numerical_features, categorical_features, embedding_tables,
           Wb0, bb0, Wb1, bb1, Wb2, bb2,
           Wt0, bt0, Wt1, bt1, Wt2, bt2, Wt3, bt3, Wt4, bt4):
    rowbase = (jnp.arange(NROWS, dtype=jnp.int32) * VOCABP)[:, None]
    idx_all = (rowbase
               + jnp.repeat(categorical_features.T, DIM, axis=0)).reshape(-1)
    tflat = _tc_repack(jnp.swapaxes(embedding_tables, 1, 2)).reshape(-1)
    emb_dm = _sc_gather(tflat, idx_all)
    bf = jnp.bfloat16
    emb2 = emb_dm.reshape(NROWS, B).T.astype(bf)

    w0x = Wt0[:DIM]
    w0f = jnp.zeros((NI * NI, Wt0.shape[1]), jnp.float32).at[_POS].set(Wt0[DIM:])
    r1 = lambda v: v.reshape(1, -1)
    return _tc_forward(
        numerical_features, emb2,
        Wb0.astype(bf), r1(bb0), Wb1.astype(bf), r1(bb1), Wb2.astype(bf),
        r1(bb2), w0x.astype(bf), w0f.astype(bf), r1(bt0), Wt1.astype(bf),
        r1(bt1), Wt2.astype(bf), r1(bt2), Wt3.astype(bf), r1(bt3),
        Wt4.astype(bf), r1(bt4))

# --- scband reference (transcript-rebuilt; emitter-appended) ---
"""Pipeline reference for scband-dlrm-6691559047224 (READ-ONLY COPY).

The authoritative reference and input builder live on the scoring server;
editing this copy changes nothing except your own understanding.
"""

import jax, jax.numpy as jnp
import numpy as np

B = 4096
NUM_TABLES = 26
VOCAB = 100000
DIM = 32
NUM_NUM = 13
BOT_DIMS = [512, 256, 32]
TOP_DIMS = [1024, 1024, 512, 256, 1]
N_INT = (NUM_TABLES + 1) * NUM_TABLES // 2
TOP_IN = N_INT + DIM


def _glorot(key, shape):
    fan_in, fan_out = shape
    std = float(np.sqrt(2.0 / (fan_in + fan_out)))
    return jax.random.normal(key, shape, dtype=jnp.float32) * std


def setup_inputs(seed: int = 0) -> dict:
    key = jax.random.key(seed)
    ks = jax.random.split(key, 32)
    inp = {}
    inp["numerical_features"] = jax.random.normal(ks[0], (B, NUM_NUM), dtype=jnp.float32)
    inp["categorical_features"] = jax.random.randint(ks[1], (B, NUM_TABLES), 0, VOCAB, dtype=jnp.int32)
    inp["embedding_tables"] = jax.random.normal(ks[2], (NUM_TABLES, VOCAB, DIM), dtype=jnp.float32) * 0.01
    dims = [NUM_NUM] + BOT_DIMS
    k = 3
    for i in range(len(BOT_DIMS)):
        inp[f"Wb{i}"] = _glorot(ks[k], (dims[i], dims[i + 1])); k += 1
        inp[f"bb{i}"] = jax.random.normal(ks[k], (dims[i + 1],), dtype=jnp.float32) * float(np.sqrt(1.0 / dims[i + 1])); k += 1
    tdims = [TOP_IN] + TOP_DIMS
    for i in range(len(TOP_DIMS)):
        inp[f"Wt{i}"] = _glorot(ks[k], (tdims[i], tdims[i + 1])); k += 1
        inp[f"bt{i}"] = jax.random.normal(ks[k], (tdims[i + 1],), dtype=jnp.float32) * float(np.sqrt(1.0 / tdims[i + 1])); k += 1
    return inp


def reference(numerical_features, categorical_features, embedding_tables,
              Wb0, bb0, Wb1, bb1, Wb2, bb2,
              Wt0, bt0, Wt1, bt1, Wt2, bt2, Wt3, bt3, Wt4, bt4):
    # Bottom MLP over dense/numerical features (all relu, per original code)
    x = numerical_features
    for W, b in ((Wb0, bb0), (Wb1, bb1), (Wb2, bb2)):
        x = jax.nn.relu(x @ W + b)
    # Embedding lookups: one table per sparse field
    emb = jax.vmap(lambda t, idx: jnp.take(t, idx, axis=0), in_axes=(0, 1), out_axes=1)(
        embedding_tables, categorical_features)  # [B, NUM_TABLES, DIM]
    # Dot interaction: bottom-MLP output is treated as an extra feature
    feats = jnp.concatenate([x[:, None, :], emb], axis=1)  # [B, 27, DIM]
    xact = jnp.einsum('bnd,bmd->bnm', feats, feats)  # [B, 27, 27]
    li, lj = np.tril_indices(NUM_TABLES + 1, k=-1)
    flat = xact[:, li, lj]  # [B, 351]
    z = jnp.concatenate([x, flat], axis=1)  # [B, 383]
    # Top MLP: relu on all but last (linear) layer, producing CTR logit
    top = ((Wt0, bt0), (Wt1, bt1), (Wt2, bt2), (Wt3, bt3), (Wt4, bt4))
    for i, (W, b) in enumerate(top):
        z = z @ W + b
        if i < len(top) - 1:
            z = jax.nn.relu(z)
    return z

if __name__ == "__main__":
    import jax
    _d = setup_inputs()
    print(jax.jit(kernel)(*tuple(_d.values())))

</pallas_src>

<mosaic_0001>
#map = affine_map<(d0, d1) -> (0)>
module attributes {stable_mosaic.version = 14 : i64} {
  func.func @run(%arg0: i32, %arg1: i32, %arg2: memref<83279872xf32, #tpu.memory_space<hbm>>, %arg3: memref<3407872xi32, #tpu.memory_space<hbm>>, %arg4: memref<3407872xf32, #tpu.memory_space<hbm>>, %arg5: memref<2048xi32, #tpu.memory_space<vmem>>, %arg6: memref<2048xi32, #tpu.memory_space<vmem>>, %arg7: memref<106496xf32, #tpu.memory_space<vmem>>, %arg8: memref<!tpu.dma_semaphore, #tpu.memory_space<semaphore_mem>>, %arg9: memref<!tpu.dma_semaphore, #tpu.memory_space<semaphore_mem>>) attributes {dimension_semantics = [#tpu.dimension_semantics<core_parallel>, #tpu.dimension_semantics<subcore_parallel>], iteration_bounds = array<i64: 2, 16>, scalar_prefetch = 0 : i64, scratch_operands = 5 : i64, tpu.core_type = #tpu.core_type<sc_vector_subcore>, window_params = [{transform_indices = #map}, {transform_indices = #map}, {transform_indices = #map}]} {
    %mul3A = arith.constant 2 : i32
    %mul3A_0 = arith.muli %arg1, %mul3A : i32
    %add3A = arith.addi %mul3A_0, %arg0 : i32
    %mul3A_1 = arith.constant 26 : i32
    %mul3A_2 = arith.muli %add3A, %mul3A_1 : i32
    %mul3A_3 = arith.constant 4096 : i32
    %mul3A_4 = arith.muli %mul3A_2, %mul3A_3 : i32
    %scan3A = arith.constant 0 : i32
    %scan3A_5 = arith.constant 0 : i32
    %scan3A_6 = arith.constant 52 : i32
    %scan3A_7 = arith.addi %scan3A_5, %scan3A_6 : i32
    %scan3A_8 = arith.constant 1 : i32
    scf.for %scan3A_25 = %scan3A_5 to %scan3A_7 step %scan3A_8  : i32 {
      %rem3A = arith.constant 2 : i32
      %rem3A_26 = arith.remsi %scan3A_25, %rem3A : i32
      %eq3A = arith.constant 0 : i32
      %eq3A_27 = arith.cmpi eq, %rem3A_26, %eq3A : i32
      %convert_element_type3A = arith.extui %eq3A_27 : i1 to i32
      %cond3A = arith.constant 0 : i32
      %cond3A_28 = arith.cmpi ne, %convert_element_type3A, %cond3A : i32
      scf.if %cond3A_28 {
        %ge3A = arith.constant 2 : i32
        %ge3A_34 = arith.cmpi sge, %scan3A_25, %ge3A : i32
        %convert_element_type3A_35 = arith.extui %ge3A_34 : i1 to i32
        %cond3A_36 = arith.constant 0 : i32
        %cond3A_37 = arith.cmpi ne, %convert_element_type3A_35, %cond3A_36 : i32
        scf.if %cond3A_37 {
          %dma_wait3A_184 = arith.constant 0 : i32
          %dma_wait3A_185 = tpu.memref_slice %arg7[%dma_wait3A_184] : memref<106496xf32, #tpu.memory_space<vmem>> -> memref<2048xf32, #tpu.memory_space<vmem>>
          %dma_wait3A_186 = arith.constant 0 : i32
          %dma_wait3A_187 = tpu.memref_slice %arg2[%dma_wait3A_186] : memref<83279872xf32, #tpu.memory_space<hbm>> -> memref<2048xf32, #tpu.memory_space<hbm>>
          %dma_wait3A_188 = arith.constant 0 : i32
          %dma_wait3A_189 = tpu.memref_slice %arg7[%dma_wait3A_188] : memref<106496xf32, #tpu.memory_space<vmem>> -> memref<2048xf32, #tpu.memory_space<vmem>>
          %dma_wait3A_190 = arith.constant 0 : i32
          %dma_wait3A_191 = tpu.memref_slice %arg2[%dma_wait3A_190] : memref<83279872xf32, #tpu.memory_space<hbm>> -> memref<2048xf32, #tpu.memory_space<hbm>>
          tpu.wait_dma2 semaphore(%arg8 : memref<!tpu.dma_semaphore, #tpu.memory_space<semaphore_mem>>) src(%dma_wait3A_191 : memref<2048xf32, #tpu.memory_space<hbm>>) dst(%dma_wait3A_189 : memref<2048xf32, #tpu.memory_space<vmem>>)
        } else {
        }
        %mul3A_38 = arith.constant 2048 : i32
        %mul3A_39 = arith.muli %scan3A_25, %mul3A_38 : i32
        %add3A_40 = arith.addi %mul3A_4, %mul3A_39 : i32
        "tpu.region"() ({
          %run_scoped3A = tpu.sem_alloc : memref<!tpu.dma_semaphore, #tpu.memory_space<semaphore_mem>>
          %dma_start3A_184 = tpu.memref_slice %arg3[%add3A_40] : memref<3407872xi32, #tpu.memory_space<hbm>> -> memref<2048xi32, #tpu.memory_space<hbm>>
          %dma_start3A_185 = tpu.memref_slice %arg3[%add3A_40] : memref<3407872xi32, #tpu.memory_space<hbm>> -> memref<2048xi32, #tpu.memory_space<hbm>>
          tpu.enqueue_dma source(%dma_start3A_185 : memref<2048xi32, #tpu.memory_space<hbm>>) target(%arg5 : memref<2048xi32, #tpu.memory_space<vmem>>) target_semaphore(%run_scoped3A : memref<!tpu.dma_semaphore, #tpu.memory_space<semaphore_mem>>)
          %dma_wait3A_186 = tpu.memref_slice %arg3[%add3A_40] : memref<3407872xi32, #tpu.memory_space<hbm>> -> memref<2048xi32, #tpu.memory_space<hbm>>
          %dma_wait3A_187 = tpu.memref_slice %arg3[%add3A_40] : memref<3407872xi32, #tpu.memory_space<hbm>> -> memref<2048xi32, #tpu.memory_space<hbm>>
          tpu.wait_dma2 semaphore(%run_scoped3A : memref<!tpu.dma_semaphore, #tpu.memory_space<semaphore_mem>>) src(%dma_wait3A_187 : memref<2048xi32, #tpu.memory_space<hbm>>) dst(%arg5 : memref<2048xi32, #tpu.memory_space<vmem>>)
          tpu.yield
        }) : () -> ()
        %mul3A_41 = arith.constant 2048 : i32
        %mul3A_42 = arith.muli %scan3A_25, %mul3A_41 : i32
        %add3A_43 = arith.constant 0 : i32
        %add3A_44 = arith.addi %mul3A_42, %add3A_43 : i32
        %dma_start3A = tpu.memref_slice %arg7[%add3A_44] : memref<106496xf32, #tpu.memory_space<vmem>> -> memref<128xf32, #tpu.memory_space<vmem>>
        %dma_start3A_45 = arith.constant 0 : i32
        %dma_start3A_46 = tpu.memref_slice %arg5[%dma_start3A_45] : memref<2048xi32, #tpu.memory_space<vmem>> -> memref<128xi32, #tpu.memory_space<vmem>>
        %dma_start3A_47 = arith.constant 0 : i32
        %dma_start3A_48 = tpu.memref_slice %arg2[%dma_start3A_47] : memref<83279872xf32, #tpu.memory_space<hbm>> -> memref<83279872xf32, #tpu.memory_space<hbm>>
        tpu.enqueue_indirect_dma source(%dma_start3A_48 : memref<83279872xf32, #tpu.memory_space<hbm>>) target(%dma_start3A : memref<128xf32, #tpu.memory_space<vmem>>) offsets(%dma_start3A_46 : memref<128xi32, #tpu.memory_space<vmem>>) semaphore(%arg8 : memref<!tpu.dma_semaphore, #tpu.memory_space<semaphore_mem>>)
        %mul3A_49 = arith.constant 2048 : i32
        %mul3A_50 = arith.muli %scan3A_25, %mul3A_49 : i32
        %add3A_51 = arith.constant 128 : i32
        %add3A_52 = arith.addi %mul3A_50, %add3A_51 : i32
        %dma_start3A_53 = tpu.memref_slice %arg7[%add3A_52] : memref<106496xf32, #tpu.memory_space<vmem>> -> memref<128xf32, #tpu.memory_space<vmem>>
        %dma_start3A_54 = arith.constant 128 : i32
        %dma_start3A_55 = tpu.memref_slice %arg5[%dma_start3A_54] : memref<2048xi32, #tpu.memory_space<vmem>> -> memref<128xi32, #tpu.memory_space<vmem>>
        %dma_start3A_56 = arith.constant 0 : i32
        %dma_start3A_57 = tpu.memref_slice %arg2[%dma_start3A_56] : memref<83279872xf32, #tpu.memory_space<hbm>> -> memref<83279872xf32, #tpu.memory_space<hbm>>
        tpu.enqueue_indirect_dma source(%dma_start3A_57 : memref<83279872xf32, #tpu.memory_space<hbm>>) target(%dma_start3A_53 : memref<128xf32, #tpu.memory_space<vmem>>) offsets(%dma_start3A_55 : memref<128xi32, #tpu.memory_space<vmem>>) semaphore(%arg8 : memref<!tpu.dma_semaphore, #tpu.memory_space<semaphore_mem>>)
        %mul3A_58 = arith.constant 2048 : i32
        %mul3A_59 = arith.muli %scan3A_25, %mul3A_58 : i32
        %add3A_60 = arith.constant 256 : i32
        %add3A_61 = arith.addi %mul3A_59, %add3A_60 : i32
        %dma_start3A_62 = tpu.memref_slice %arg7[%add3A_61] : memref<106496xf32, #tpu.memory_space<vmem>> -> memref<128xf32, #tpu.memory_space<vmem>>
        %dma_start3A_63 = arith.constant 256 : i32
        %dma_start3A_64 = tpu.memref_slice %arg5[%dma_start3A_63] : memref<2048xi32, #tpu.memory_space<vmem>> -> memref<128xi32, #tpu.memory_space<vmem>>
        %dma_start3A_65 = arith.constant 0 : i32
        %dma_start3A_66 = tpu.memref_slice %arg2[%dma_start3A_65] : memref<83279872xf32, #tpu.memory_space<hbm>> -> memref<83279872xf32, #tpu.memory_space<hbm>>
        tpu.enqueue_indirect_dma source(%dma_start3A_66 : memref<83279872xf32, #tpu.memory_space<hbm>>) target(%dma_start3A_62 : memref<128xf32, #tpu.memory_space<vmem>>) offsets(%dma_start3A_64 : memref<128xi32, #tpu.memory_space<vmem>>) semaphore(%arg8 : memref<!tpu.dma_semaphore, #tpu.memory_space<semaphore_mem>>)
        %mul3A_67 = arith.constant 2048 : i32
        %mul3A_68 = arith.muli %scan3A_25, %mul3A_67 : i32
        %add3A_69 = arith.constant 384 : i32
        %add3A_70 = arith.addi %mul3A_68, %add3A_69 : i32
        %dma_start3A_71 = tpu.memref_slice %arg7[%add3A_70] : memref<106496xf32, #tpu.memory_space<vmem>> -> memref<128xf32, #tpu.memory_space<vmem>>
        %dma_start3A_72 = arith.constant 384 : i32
        %dma_start3A_73 = tpu.memref_slice %arg5[%dma_start3A_72] : memref<2048xi32, #tpu.memory_space<vmem>> -> memref<128xi32, #tpu.memory_space<vmem>>
        %dma_start3A_74 = arith.constant 0 : i32
        %dma_start3A_75 = tpu.memref_slice %arg2[%dma_start3A_74] : memref<83279872xf32, #tpu.memory_space<hbm>> -> memref<83279872xf32, #tpu.memory_space<hbm>>
        tpu.enqueue_indirect_dma source(%dma_start3A_75 : memref<83279872xf32, #tpu.memory_space<hbm>>) target(%dma_start3A_71 : memref<128xf32, #tpu.memory_space<vmem>>) offsets(%dma_start3A_73 : memref<128xi32, #tpu.memory_space<vmem>>) semaphore(%arg8 : memref<!tpu.dma_semaphore, #tpu.memory_space<semaphore_mem>>)
        %mul3A_76 = arith.constant 2048 : i32
        %mul3A_77 = arith.muli %scan3A_25, %mul3A_76 : i32
        %add3A_78 = arith.constant 512 : i32
        %add3A_79 = arith.addi %mul3A_77, %add3A_78 : i32
        %dma_start3A_80 = tpu.memref_slice %arg7[%add3A_79] : memref<106496xf32, #tpu.memory_space<vmem>> -> memref<128xf32, #tpu.memory_space<vmem>>
        %dma_start3A_81 = arith.constant 512 : i32
        %dma_start3A_82 = tpu.memref_slice %arg5[%dma_start3A_81] : memref<2048xi32, #tpu.memory_space<vmem>> -> memref<128xi32, #tpu.memory_space<vmem>>
        %dma_start3A_83 = arith.constant 0 : i32
        %dma_start3A_84 = tpu.memref_slice %arg2[%dma_start3A_83] : memref<83279872xf32, #tpu.memory_space<hbm>> -> memref<83279872xf32, #tpu.memory_space<hbm>>
        tpu.enqueue_indirect_dma source(%dma_start3A_84 : memref<83279872xf32, #tpu.memory_space<hbm>>) target(%dma_start3A_80 : memref<128xf32, #tpu.memory_space<vmem>>) offsets(%dma_start3A_82 : memref<128xi32, #tpu.memory_space<vmem>>) semaphore(%arg8 : memref<!tpu.dma_semaphore, #tpu.memory_space<semaphore_mem>>)
        %mul3A_85 = arith.constant 2048 : i32
        %mul3A_86 = arith.muli %scan3A_25, %mul3A_85 : i32
        %add3A_87 = arith.constant 640 : i32
        %add3A_88 = arith.addi %mul3A_86, %add3A_87 : i32
        %dma_start3A_89 = tpu.memref_slice %arg7[%add3A_88] : memref<106496xf32, #tpu.memory_space<vmem>> -> memref<128xf32, #tpu.memory_space<vmem>>
        %dma_start3A_90 = arith.constant 640 : i32
        %dma_start3A_91 = tpu.memref_slice %arg5[%dma_start3A_90] : memref<2048xi32, #tpu.memory_space<vmem>> -> memref<128xi32, #tpu.memory_space<vmem>>
        %dma_start3A_92 = arith.constant 0 : i32
        %dma_start3A_93 = tpu.memref_slice %arg2[%dma_start3A_92] : memref<83279872xf32, #tpu.memory_space<hbm>> -> memref<83279872xf32, #tpu.memory_space<hbm>>
        tpu.enqueue_indirect_dma source(%dma_start3A_93 : memref<83279872xf32, #tpu.memory_space<hbm>>) target(%dma_start3A_89 : memref<128xf32, #tpu.memory_space<vmem>>) offsets(%dma_start3A_91 : memref<128xi32, #tpu.memory_space<vmem>>) semaphore(%arg8 : memref<!tpu.dma_semaphore, #tpu.memory_space<semaphore_mem>>)
        %mul3A_94 = arith.constant 2048 : i32
        %mul3A_95 = arith.muli %scan3A_25, %mul3A_94 : i32
        %add3A_96 = arith.constant 768 : i32
        %add3A_97 = arith.addi %mul3A_95, %add3A_96 : i32
        %dma_start3A_98 = tpu.memref_slice %arg7[%add3A_97] : memref<106496xf32, #tpu.memory_space<vmem>> -> memref<128xf32, #tpu.memory_space<vmem>>
        %dma_start3A_99 = arith.constant 768 : i32
        %dma_start3A_100 = tpu.memref_slice %arg5[%dma_start3A_99] : memref<2048xi32, #tpu.memory_space<vmem>> -> memref<128xi32, #tpu.memory_space<vmem>>
        %dma_start3A_101 = arith.constant 0 : i32
        %dma_start3A_102 = tpu.memref_slice %arg2[%dma_start3A_101] : memref<83279872xf32, #tpu.memory_space<hbm>> -> memref<83279872xf32, #tpu.memory_space<hbm>>
        tpu.enqueue_indirect_dma source(%dma_start3A_102 : memref<83279872xf32, #tpu.memory_space<hbm>>) target(%dma_start3A_98 : memref<128xf32, #tpu.memory_space<vmem>>) offsets(%dma_start3A_100 : memref<128xi32, #tpu.memory_space<vmem>>) semaphore(%arg8 : memref<!tpu.dma_semaphore, #tpu.memory_space<semaphore_mem>>)
        %mul3A_103 = arith.constant 2048 : i32
        %mul3A_104 = arith.muli %scan3A_25, %mul3A_103 : i32
        %add3A_105 = arith.constant 896 : i32
        %add3A_106 = arith.addi %mul3A_104, %add3A_105 : i32
        %dma_start3A_107 = tpu.memref_slice %arg7[%add3A_106] : memref<106496xf32, #tpu.memory_space<vmem>> -> memref<128xf32, #tpu.memory_space<vmem>>
        %dma_start3A_108 = arith.constant 896 : i32
        %dma_start3A_109 = tpu.memref_slice %arg5[%dma_start3A_108] : memref<2048xi32, #tpu.memory_space<vmem>> -> memref<128xi32, #tpu.memory_space<vmem>>
        %dma_start3A_110 = arith.constant 0 : i32
        %dma_start3A_111 = tpu.memref_slice %arg2[%dma_start3A_110] : memref<83279872xf32, #tpu.memory_space<hbm>> -> memref<83279872xf32, #tpu.memory_space<hbm>>
        tpu.enqueue_indirect_dma source(%dma_start3A_111 : memref<83279872xf32, #tpu.memory_space<hbm>>) target(%dma_start3A_107 : memref<128xf32, #tpu.memory_space<vmem>>) offsets(%dma_start3A_109 : memref<128xi32, #tpu.memory_space<vmem>>) semaphore(%arg8 : memref<!tpu.dma_semaphore, #tpu.memory_space<semaphore_mem>>)
        %mul3A_112 = arith.constant 2048 : i32
        %mul3A_113 = arith.muli %scan3A_25, %mul3A_112 : i32
        %add3A_114 = arith.constant 1024 : i32
        %add3A_115 = arith.addi %mul3A_113, %add3A_114 : i32
        %dma_start3A_116 = tpu.memref_slice %arg7[%add3A_115] : memref<106496xf32, #tpu.memory_space<vmem>> -> memref<128xf32, #tpu.memory_space<vmem>>
        %dma_start3A_117 = arith.constant 1024 : i32
        %dma_start3A_118 = tpu.memref_slice %arg5[%dma_start3A_117] : memref<2048xi32, #tpu.memory_space<vmem>> -> memref<128xi32, #tpu.memory_space<vmem>>
        %dma_start3A_119 = arith.constant 0 : i32
        %dma_start3A_120 = tpu.memref_slice %arg2[%dma_start3A_119] : memref<83279872xf32, #tpu.memory_space<hbm>> -> memref<83279872xf32, #tpu.memory_space<hbm>>
        tpu.enqueue_indirect_dma source(%dma_start3A_120 : memref<83279872xf32, #tpu.memory_space<hbm>>) target(%dma_start3A_116 : memref<128xf32, #tpu.memory_space<vmem>>) offsets(%dma_start3A_118 : memref<128xi32, #tpu.memory_space<vmem>>) semaphore(%arg8 : memref<!tpu.dma_semaphore, #tpu.memory_space<semaphore_mem>>)
        %mul3A_121 = arith.constant 2048 : i32
        %mul3A_122 = arith.muli %scan3A_25, %mul3A_121 : i32
        %add3A_123 = arith.constant 1152 : i32
        %add3A_124 = arith.addi %mul3A_122, %add3A_123 : i32
        %dma_start3A_125 = tpu.memref_slice %arg7[%add3A_124] : memref<106496xf32, #tpu.memory_space<vmem>> -> memref<128xf32, #tpu.memory_space<vmem>>
        %dma_start3A_126 = arith.constant 1152 : i32
        %dma_start3A_127 = tpu.memref_slice %arg5[%dma_start3A_126] : memref<2048xi32, #tpu.memory_space<vmem>> -> memref<128xi32, #tpu.memory_space<vmem>>
        %dma_start3A_128 = arith.constant 0 : i32
        %dma_start3A_129 = tpu.memref_slice %arg2[%dma_start3A_128] : memref<83279872xf32, #tpu.memory_space<hbm>> -> memref<83279872xf32, #tpu.memory_space<hbm>>
        tpu.enqueue_indirect_dma source(%dma_start3A_129 : memref<83279872xf32, #tpu.memory_space<hbm>>) target(%dma_start3A_125 : memref<128xf32, #tpu.memory_space<vmem>>) offsets(%dma_start3A_127 : memref<128xi32, #tpu.memory_space<vmem>>) semaphore(%arg8 : memref<!tpu.dma_semaphore, #tpu.memory_space<semaphore_mem>>)
        %mul3A_130 = arith.constant 2048 : i32
        %mul3A_131 = arith.muli %scan3A_25, %mul3A_130 : i32
        %add3A_132 = arith.constant 1280 : i32
        %add3A_133 = arith.addi %mul3A_131, %add3A_132 : i32
        %dma_start3A_134 = tpu.memref_slice %arg7[%add3A_133] : memref<106496xf32, #tpu.memory_space<vmem>> -> memref<128xf32, #tpu.memory_space<vmem>>
        %dma_start3A_135 = arith.constant 1280 : i32
        %dma_start3A_136 = tpu.memref_slice %arg5[%dma_start3A_135] : memref<2048xi32, #tpu.memory_space<vmem>> -> memref<128xi32, #tpu.memory_space<vmem>>
        %dma_start3A_137 = arith.constant 0 : i32
        %dma_start3A_138 = tpu.memref_slice %arg2[%dma_start3A_137] : memref<83279872xf32, #tpu.memory_space<hbm>> -> memref<83279872xf32, #tpu.memory_space<hbm>>
        tpu.enqueue_indirect_dma source(%dma_start3A_138 : memref<83279872xf32, #tpu.memory_space<hbm>>) target(%dma_start3A_134 : memref<128xf32, #tpu.memory_space<vmem>>) offsets(%dma_start3A_136 : memref<128xi32, #tpu.memory_space<vmem>>) semaphore(%arg8 : memref<!tpu.dma_semaphore, #tpu.memory_space<semaphore_mem>>)
        %mul3A_139 = arith.constant 2048 : i32
        %mul3A_140 = arith.muli %scan3A_25, %mul3A_139 : i32
        %add3A_141 = arith.constant 1408 : i32
        %add3A_142 = arith.addi %mul3A_140, %add3A_141 : i32
        %dma_start3A_143 = tpu.memref_slice %arg7[%add3A_142] : memref<106496xf32, #tpu.memory_space<vmem>> -> memref<128xf32, #tpu.memory_space<vmem>>
        %dma_start3A_144 = arith.constant 1408 : i32
        %dma_start3A_145 = tpu.memref_slice %arg5[%dma_start3A_144] : memref<2048xi32, #tpu.memory_space<vmem>> -> memref<128xi32, #tpu.memory_space<vmem>>
        %dma_start3A_146 = arith.constant 0 : i32
        %dma_start3A_147 = tpu.memref_slice %arg2[%dma_start3A_146] : memref<83279872xf32, #tpu.memory_space<hbm>> -> memref<83279872xf32, #tpu.memory_space<hbm>>
        tpu.enqueue_indirect_dma source(%dma_start3A_147 : memref<83279872xf32, #tpu.memory_space<hbm>>) target(%dma_start3A_143 : memref<128xf32, #tpu.memory_space<vmem>>) offsets(%dma_start3A_145 : memref<128xi32, #tpu.memory_space<vmem>>) semaphore(%arg8 : memref<!tpu.dma_semaphore, #tpu.memory_space<semaphore_mem>>)
        %mul3A_148 = arith.constant 2048 : i32
        %mul3A_149 = arith.muli %scan3A_25, %mul3A_148 : i32
        %add3A_150 = arith.constant 1536 : i32
        %add3A_151 = arith.addi %mul3A_149, %add3A_150 : i32
        %dma_start3A_152 = tpu.memref_slice %arg7[%add3A_151] : memref<106496xf32, #tpu.memory_space<vmem>> -> memref<128xf32, #tpu.memory_space<vmem>>
        %dma_start3A_153 = arith.constant 1536 : i32
        %dma_start3A_154 = tpu.memref_slice %arg5[%dma_start3A_153] : memref<2048xi32, #tpu.memory_space<vmem>> -> memref<128xi32, #tpu.memory_space<vmem>>
        %dma_start3A_155 = arith.constant 0 : i32
        %dma_start3A_156 = tpu.memref_slice %arg2[%dma_start3A_155] : memref<83279872xf32, #tpu.memory_space<hbm>> -> memref<83279872xf32, #tpu.memory_space<hbm>>
        tpu.enqueue_indirect_dma source(%dma_start3A_156 : memref<83279872xf32, #tpu.memory_space<hbm>>) target(%dma_start3A_152 : memref<128xf32, #tpu.memory_space<vmem>>) offsets(%dma_start3A_154 : memref<128xi32, #tpu.memory_space<vmem>>) semaphore(%arg8 : memref<!tpu.dma_semaphore, #tpu.memory_space<semaphore_mem>>)
        %mul3A_157 = arith.constant 2048 : i32
        %mul3A_158 = arith.muli %scan3A_25, %mul3A_157 : i32
        %add3A_159 = arith.constant 1664 : i32
        %add3A_160 = arith.addi %mul3A_158, %add3A_159 : i32
        %dma_start3A_161 = tpu.memref_slice %arg7[%add3A_160] : memref<106496xf32, #tpu.memory_space<vmem>> -> memref<128xf32, #tpu.memory_space<vmem>>
        %dma_start3A_162 = arith.constant 1664 : i32
        %dma_start3A_163 = tpu.memref_slice %arg5[%dma_start3A_162] : memref<2048xi32, #tpu.memory_space<vmem>> -> memref<128xi32, #tpu.memory_space<vmem>>
        %dma_start3A_164 = arith.constant 0 : i32
        %dma_start3A_165 = tpu.memref_slice %arg2[%dma_start3A_164] : memref<83279872xf32, #tpu.memory_space<hbm>> -> memref<83279872xf32, #tpu.memory_space<hbm>>
        tpu.enqueue_indirect_dma source(%dma_start3A_165 : memref<83279872xf32, #tpu.memory_space<hbm>>) target(%dma_start3A_161 : memref<128xf32, #tpu.memory_space<vmem>>) offsets(%dma_start3A_163 : memref<128xi32, #tpu.memory_space<vmem>>) semaphore(%arg8 : memref<!tpu.dma_semaphore, #tpu.memory_space<semaphore_mem>>)
        %mul3A_166 = arith.constant 2048 : i32
        %mul3A_167 = arith.muli %scan3A_25, %mul3A_166 : i32
        %add3A_168 = arith.constant 1792 : i32
        %add3A_169 = arith.addi %mul3A_167, %add3A_168 : i32
        %dma_start3A_170 = tpu.memref_slice %arg7[%add3A_169] : memref<106496xf32, #tpu.memory_space<vmem>> -> memref<128xf32, #tpu.memory_space<vmem>>
        %dma_start3A_171 = arith.constant 1792 : i32
        %dma_start3A_172 = tpu.memref_slice %arg5[%dma_start3A_171] : memref<2048xi32, #tpu.memory_space<vmem>> -> memref<128xi32, #tpu.memory_space<vmem>>
        %dma_start3A_173 = arith.constant 0 : i32
        %dma_start3A_174 = tpu.memref_slice %arg2[%dma_start3A_173] : memref<83279872xf32, #tpu.memory_space<hbm>> -> memref<83279872xf32, #tpu.memory_space<hbm>>
        tpu.enqueue_indirect_dma source(%dma_start3A_174 : memref<83279872xf32, #tpu.memory_space<hbm>>) target(%dma_start3A_170 : memref<128xf32, #tpu.memory_space<vmem>>) offsets(%dma_start3A_172 : memref<128xi32, #tpu.memory_space<vmem>>) semaphore(%arg8 : memref<!tpu.dma_semaphore, #tpu.memory_space<semaphore_mem>>)
        %mul3A_175 = arith.constant 2048 : i32
        %mul3A_176 = arith.muli %scan3A_25, %mul3A_175 : i32
        %add3A_177 = arith.constant 1920 : i32
        %add3A_178 = arith.addi %mul3A_176, %add3A_177 : i32
        %dma_start3A_179 = tpu.memref_slice %arg7[%add3A_178] : memref<106496xf32, #tpu.memory_space<vmem>> -> memref<128xf32, #tpu.memory_space<vmem>>
        %dma_start3A_180 = arith.constant 1920 : i32
        %dma_start3A_181 = tpu.memref_slice %arg5[%dma_start3A_180] : memref<2048xi32, #tpu.memory_space<vmem>> -> memref<128xi32, #tpu.memory_space<vmem>>
        %dma_start3A_182 = arith.constant 0 : i32
        %dma_start3A_183 = tpu.memref_slice %arg2[%dma_start3A_182] : memref<83279872xf32, #tpu.memory_space<hbm>> -> memref<83279872xf32, #tpu.memory_space<hbm>>
        tpu.enqueue_indirect_dma source(%dma_start3A_183 : memref<83279872xf32, #tpu.memory_space<hbm>>) target(%dma_start3A_179 : memref<128xf32, #tpu.memory_space<vmem>>) offsets(%dma_start3A_181 : memref<128xi32, #tpu.memory_space<vmem>>) semaphore(%arg8 : memref<!tpu.dma_semaphore, #tpu.memory_space<semaphore_mem>>)
      } else {
      }
      %eq3A_29 = arith.constant 1 : i32
      %eq3A_30 = arith.cmpi eq, %rem3A_26, %eq3A_29 : i32
      %convert_element_type3A_31 = arith.extui %eq3A_30 : i1 to i32
      %cond3A_32 = arith.constant 0 : i32
      %cond3A_33 = arith.cmpi ne, %convert_element_type3A_31, %cond3A_32 : i32
      scf.if %cond3A_33 {
        %ge3A = arith.constant 2 : i32
        %ge3A_34 = arith.cmpi sge, %scan3A_25, %ge3A : i32
        %convert_element_type3A_35 = arith.extui %ge3A_34 : i1 to i32
        %cond3A_36 = arith.constant 0 : i32
        %cond3A_37 = arith.cmpi ne, %convert_element_type3A_35, %cond3A_36 : i32
        scf.if %cond3A_37 {
          %dma_wait3A_184 = arith.constant 0 : i32
          %dma_wait3A_185 = tpu.memref_slice %arg7[%dma_wait3A_184] : memref<106496xf32, #tpu.memory_space<vmem>> -> memref<2048xf32, #tpu.memory_space<vmem>>
          %dma_wait3A_186 = arith.constant 0 : i32
          %dma_wait3A_187 = tpu.memref_slice %arg2[%dma_wait3A_186] : memref<83279872xf32, #tpu.memory_space<hbm>> -> memref<2048xf32, #tpu.memory_space<hbm>>
          %dma_wait3A_188 = arith.constant 0 : i32
          %dma_wait3A_189 = tpu.memref_slice %arg7[%dma_wait3A_188] : memref<106496xf32, #tpu.memory_space<vmem>> -> memref<2048xf32, #tpu.memory_space<vmem>>
          %dma_wait3A_190 = arith.constant 0 : i32
          %dma_wait3A_191 = tpu.memref_slice %arg2[%dma_wait3A_190] : memref<83279872xf32, #tpu.memory_space<hbm>> -> memref<2048xf32, #tpu.memory_space<hbm>>
          tpu.wait_dma2 semaphore(%arg9 : memref<!tpu.dma_semaphore, #tpu.memory_space<semaphore_mem>>) src(%dma_wait3A_191 : memref<2048xf32, #tpu.memory_space<hbm>>) dst(%dma_wait3A_189 : memref<2048xf32, #tpu.memory_space<vmem>>)
        } else {
        }
        %mul3A_38 = arith.constant 2048 : i32
        %mul3A_39 = arith.muli %scan3A_25, %mul3A_38 : i32
        %add3A_40 = arith.addi %mul3A_4, %mul3A_39 : i32
        "tpu.region"() ({
          %run_scoped3A = tpu.sem_alloc : memref<!tpu.dma_semaphore, #tpu.memory_space<semaphore_mem>>
          %dma_start3A_184 = tpu.memref_slice %arg3[%add3A_40] : memref<3407872xi32, #tpu.memory_space<hbm>> -> memref<2048xi32, #tpu.memory_space<hbm>>
          %dma_start3A_185 = tpu.memref_slice %arg3[%add3A_40] : memref<3407872xi32, #tpu.memory_space<hbm>> -> memref<2048xi32, #tpu.memory_space<hbm>>
          tpu.enqueue_dma source(%dma_start3A_185 : memref<2048xi32, #tpu.memory_space<hbm>>) target(%arg6 : memref<2048xi32, #tpu.memory_space<vmem>>) target_semaphore(%run_scoped3A : memref<!tpu.dma_semaphore, #tpu.memory_space<semaphore_mem>>)
          %dma_wait3A_186 = tpu.memref_slice %arg3[%add3A_40] : memref<3407872xi32, #tpu.memory_space<hbm>> -> memref<2048xi32, #tpu.memory_space<hbm>>
          %dma_wait3A_187 = tpu.memref_slice %arg3[%add3A_40] : memref<3407872xi32, #tpu.memory_space<hbm>> -> memref<2048xi32, #tpu.memory_space<hbm>>
          tpu.wait_dma2 semaphore(%run_scoped3A : memref<!tpu.dma_semaphore, #tpu.memory_space<semaphore_mem>>) src(%dma_wait3A_187 : memref<2048xi32, #tpu.memory_space<hbm>>) dst(%arg6 : memref<2048xi32, #tpu.memory_space<vmem>>)
          tpu.yield
        }) : () -> ()
        %mul3A_41 = arith.constant 2048 : i32
        %mul3A_42 = arith.muli %scan3A_25, %mul3A_41 : i32
        %add3A_43 = arith.constant 0 : i32
        %add3A_44 = arith.addi %mul3A_42, %add3A_43 : i32
        %dma_start3A = tpu.memref_slice %arg7[%add3A_44] : memref<106496xf32, #tpu.memory_space<vmem>> -> memref<128xf32, #tpu.memory_space<vmem>>
        %dma_start3A_45 = arith.constant 0 : i32
        %dma_start3A_46 = tpu.memref_slice %arg6[%dma_start3A_45] : memref<2048xi32, #tpu.memory_space<vmem>> -> memref<128xi32, #tpu.memory_space<vmem>>
        %dma_start3A_47 = arith.constant 0 : i32
        %dma_start3A_48 = tpu.memref_slice %arg2[%dma_start3A_47] : memref<83279872xf32, #tpu.memory_space<hbm>> -> memref<83279872xf32, #tpu.memory_space<hbm>>
        tpu.enqueue_indirect_dma source(%dma_start3A_48 : memref<83279872xf32, #tpu.memory_space<hbm>>) target(%dma_start3A : memref<128xf32, #tpu.memory_space<vmem>>) offsets(%dma_start3A_46 : memref<128xi32, #tpu.memory_space<vmem>>) semaphore(%arg9 : memref<!tpu.dma_semaphore, #tpu.memory_space<semaphore_mem>>)
        %mul3A_49 = arith.constant 2048 : i32
        %mul3A_50 = arith.muli %scan3A_25, %mul3A_49 : i32
        %add3A_51 = arith.constant 128 : i32
        %add3A_52 = arith.addi %mul3A_50, %add3A_51 : i32
        %dma_start3A_53 = tpu.memref_slice %arg7[%add3A_52] : memref<106496xf32, #tpu.memory_space<vmem>> -> memref<128xf32, #tpu.memory_space<vmem>>
        %dma_start3A_54 = arith.constant 128 : i32
        %dma_start3A_55 = tpu.memref_slice %arg6[%dma_start3A_54] : memref<2048xi32, #tpu.memory_space<vmem>> -> memref<128xi32, #tpu.memory_space<vmem>>
        %dma_start3A_56 = arith.constant 0 : i32
        %dma_start3A_57 = tpu.memref_slice %arg2[%dma_start3A_56] : memref<83279872xf32, #tpu.memory_space<hbm>> -> memref<83279872xf32, #tpu.memory_space<hbm>>
        tpu.enqueue_indirect_dma source(%dma_start3A_57 : memref<83279872xf32, #tpu.memory_space<hbm>>) target(%dma_start3A_53 : memref<128xf32, #tpu.memory_space<vmem>>) offsets(%dma_start3A_55 : memref<128xi32, #tpu.memory_space<vmem>>) semaphore(%arg9 : memref<!tpu.dma_semaphore, #tpu.memory_space<semaphore_mem>>)
        %mul3A_58 = arith.constant 2048 : i32
        %mul3A_59 = arith.muli %scan3A_25, %mul3A_58 : i32
        %add3A_60 = arith.constant 256 : i32
        %add3A_61 = arith.addi %mul3A_59, %add3A_60 : i32
        %dma_start3A_62 = tpu.memref_slice %arg7[%add3A_61] : memref<106496xf32, #tpu.memory_space<vmem>> -> memref<128xf32, #tpu.memory_space<vmem>>
        %dma_start3A_63 = arith.constant 256 : i32
        %dma_start3A_64 = tpu.memref_slice %arg6[%dma_start3A_63] : memref<2048xi32, #tpu.memory_space<vmem>> -> memref<128xi32, #tpu.memory_space<vmem>>
        %dma_start3A_65 = arith.constant 0 : i32
        %dma_start3A_66 = tpu.memref_slice %arg2[%dma_start3A_65] : memref<83279872xf32, #tpu.memory_space<hbm>> -> memref<83279872xf32, #tpu.memory_space<hbm>>
        tpu.enqueue_indirect_dma source(%dma_start3A_66 : memref<83279872xf32, #tpu.memory_space<hbm>>) target(%dma_start3A_62 : memref<128xf32, #tpu.memory_space<vmem>>) offsets(%dma_start3A_64 : memref<128xi32, #tpu.memory_space<vmem>>) semaphore(%arg9 : memref<!tpu.dma_semaphore, #tpu.memory_space<semaphore_mem>>)
        %mul3A_67 = arith.constant 2048 : i32
        %mul3A_68 = arith.muli %scan3A_25, %mul3A_67 : i32
        %add3A_69 = arith.constant 384 : i32
        %add3A_70 = arith.addi %mul3A_68, %add3A_69 : i32
        %dma_start3A_71 = tpu.memref_slice %arg7[%add3A_70] : memref<106496xf32, #tpu.memory_space<vmem>> -> memref<128xf32, #tpu.memory_space<vmem>>
        %dma_start3A_72 = arith.constant 384 : i32
        %dma_start3A_73 = tpu.memref_slice %arg6[%dma_start3A_72] : memref<2048xi32, #tpu.memory_space<vmem>> -> memref<128xi32, #tpu.memory_space<vmem>>
        %dma_start3A_74 = arith.constant 0 : i32
        %dma_start3A_75 = tpu.memref_slice %arg2[%dma_start3A_74] : memref<83279872xf32, #tpu.memory_space<hbm>> -> memref<83279872xf32, #tpu.memory_space<hbm>>
        tpu.enqueue_indirect_dma source(%dma_start3A_75 : memref<83279872xf32, #tpu.memory_space<hbm>>) target(%dma_start3A_71 : memref<128xf32, #tpu.memory_space<vmem>>) offsets(%dma_start3A_73 : memref<128xi32, #tpu.memory_space<vmem>>) semaphore(%arg9 : memref<!tpu.dma_semaphore, #tpu.memory_space<semaphore_mem>>)
        %mul3A_76 = arith.constant 2048 : i32
        %mul3A_77 = arith.muli %scan3A_25, %mul3A_76 : i32
        %add3A_78 = arith.constant 512 : i32
        %add3A_79 = arith.addi %mul3A_77, %add3A_78 : i32
        %dma_start3A_80 = tpu.memref_slice %arg7[%add3A_79] : memref<106496xf32, #tpu.memory_space<vmem>> -> memref<128xf32, #tpu.memory_space<vmem>>
        %dma_start3A_81 = arith.constant 512 : i32
        %dma_start3A_82 = tpu.memref_slice %arg6[%dma_start3A_81] : memref<2048xi32, #tpu.memory_space<vmem>> -> memref<128xi32, #tpu.memory_space<vmem>>
        %dma_start3A_83 = arith.constant 0 : i32
        %dma_start3A_84 = tpu.memref_slice %arg2[%dma_start3A_83] : memref<83279872xf32, #tpu.memory_space<hbm>> -> memref<83279872xf32, #tpu.memory_space<hbm>>
        tpu.enqueue_indirect_dma source(%dma_start3A_84 : memref<83279872xf32, #tpu.memory_space<hbm>>) target(%dma_start3A_80 : memref<128xf32, #tpu.memory_space<vmem>>) offsets(%dma_start3A_82 : memref<128xi32, #tpu.memory_space<vmem>>) semaphore(%arg9 : memref<!tpu.dma_semaphore, #tpu.memory_space<semaphore_mem>>)
        %mul3A_85 = arith.constant 2048 : i32
        %mul3A_86 = arith.muli %scan3A_25, %mul3A_85 : i32
        %add3A_87 = arith.constant 640 : i32
        %add3A_88 = arith.addi %mul3A_86, %add3A_87 : i32
        %dma_start3A_89 = tpu.memref_slice %arg7[%add3A_88] : memref<106496xf32, #tpu.memory_space<vmem>> -> memref<128xf32, #tpu.memory_space<vmem>>
        %dma_start3A_90 = arith.constant 640 : i32
        %dma_start3A_91 = tpu.memref_slice %arg6[%dma_start3A_90] : memref<2048xi32, #tpu.memory_space<vmem>> -> memref<128xi32, #tpu.memory_space<vmem>>
        %dma_start3A_92 = arith.constant 0 : i32
        %dma_start3A_93 = tpu.memref_slice %arg2[%dma_start3A_92] : memref<83279872xf32, #tpu.memory_space<hbm>> -> memref<83279872xf32, #tpu.memory_space<hbm>>
        tpu.enqueue_indirect_dma source(%dma_start3A_93 : memref<83279872xf32, #tpu.memory_space<hbm>>) target(%dma_start3A_89 : memref<128xf32, #tpu.memory_space<vmem>>) offsets(%dma_start3A_91 : memref<128xi32, #tpu.memory_space<vmem>>) semaphore(%arg9 : memref<!tpu.dma_semaphore, #tpu.memory_space<semaphore_mem>>)
        %mul3A_94 = arith.constant 2048 : i32
        %mul3A_95 = arith.muli %scan3A_25, %mul3A_94 : i32
        %add3A_96 = arith.constant 768 : i32
        %add3A_97 = arith.addi %mul3A_95, %add3A_96 : i32
        %dma_start3A_98 = tpu.memref_slice %arg7[%add3A_97] : memref<106496xf32, #tpu.memory_space<vmem>> -> memref<128xf32, #tpu.memory_space<vmem>>
        %dma_start3A_99 = arith.constant 768 : i32
        %dma_start3A_100 = tpu.memref_slice %arg6[%dma_start3A_99] : memref<2048xi32, #tpu.memory_space<vmem>> -> memref<128xi32, #tpu.memory_space<vmem>>
        %dma_start3A_101 = arith.constant 0 : i32
        %dma_start3A_102 = tpu.memref_slice %arg2[%dma_start3A_101] : memref<83279872xf32, #tpu.memory_space<hbm>> -> memref<83279872xf32, #tpu.memory_space<hbm>>
        tpu.enqueue_indirect_dma source(%dma_start3A_102 : memref<83279872xf32, #tpu.memory_space<hbm>>) target(%dma_start3A_98 : memref<128xf32, #tpu.memory_space<vmem>>) offsets(%dma_start3A_100 : memref<128xi32, #tpu.memory_space<vmem>>) semaphore(%arg9 : memref<!tpu.dma_semaphore, #tpu.memory_space<semaphore_mem>>)
        %mul3A_103 = arith.constant 2048 : i32
        %mul3A_104 = arith.muli %scan3A_25, %mul3A_103 : i32
        %add3A_105 = arith.constant 896 : i32
        %add3A_106 = arith.addi %mul3A_104, %add3A_105 : i32
        %dma_start3A_107 = tpu.memref_slice %arg7[%add3A_106] : memref<106496xf32, #tpu.memory_space<vmem>> -> memref<128xf32, #tpu.memory_space<vmem>>
        %dma_start3A_108 = arith.constant 896 : i32
        %dma_start3A_109 = tpu.memref_slice %arg6[%dma_start3A_108] : memref<2048xi32, #tpu.memory_space<vmem>> -> memref<128xi32, #tpu.memory_space<vmem>>
        %dma_start3A_110 = arith.constant 0 : i32
        %dma_start3A_111 = tpu.memref_slice %arg2[%dma_start3A_110] : memref<83279872xf32, #tpu.memory_space<hbm>> -> memref<83279872xf32, #tpu.memory_space<hbm>>
        tpu.enqueue_indirect_dma source(%dma_start3A_111 : memref<83279872xf32, #tpu.memory_space<hbm>>) target(%dma_start3A_107 : memref<128xf32, #tpu.memory_space<vmem>>) offsets(%dma_start3A_109 : memref<128xi32, #tpu.memory_space<vmem>>) semaphore(%arg9 : memref<!tpu.dma_semaphore, #tpu.memory_space<semaphore_mem>>)
        %mul3A_112 = arith.constant 2048 : i32
        %mul3A_113 = arith.muli %scan3A_25, %mul3A_112 : i32
        %add3A_114 = arith.constant 1024 : i32
        %add3A_115 = arith.addi %mul3A_113, %add3A_114 : i32
        %dma_start3A_116 = tpu.memref_slice %arg7[%add3A_115] : memref<106496xf32, #tpu.memory_space<vmem>> -> memref<128xf32, #tpu.memory_space<vmem>>
        %dma_start3A_117 = arith.constant 1024 : i32
        %dma_start3A_118 = tpu.memref_slice %arg6[%dma_start3A_117] : memref<2048xi32, #tpu.memory_space<vmem>> -> memref<128xi32, #tpu.memory_space<vmem>>
        %dma_start3A_119 = arith.constant 0 : i32
        %dma_start3A_120 = tpu.memref_slice %arg2[%dma_start3A_119] : memref<83279872xf32, #tpu.memory_space<hbm>> -> memref<83279872xf32, #tpu.memory_space<hbm>>
        tpu.enqueue_indirect_dma source(%dma_start3A_120 : memref<83279872xf32, #tpu.memory_space<hbm>>) target(%dma_start3A_116 : memref<128xf32, #tpu.memory_space<vmem>>) offsets(%dma_start3A_118 : memref<128xi32, #tpu.memory_space<vmem>>) semaphore(%arg9 : memref<!tpu.dma_semaphore, #tpu.memory_space<semaphore_mem>>)
        %mul3A_121 = arith.constant 2048 : i32
        %mul3A_122 = arith.muli %scan3A_25, %mul3A_121 : i32
        %add3A_123 = arith.constant 1152 : i32
        %add3A_124 = arith.addi %mul3A_122, %add3A_123 : i32
        %dma_start3A_125 = tpu.memref_slice %arg7[%add3A_124] : memref<106496xf32, #tpu.memory_space<vmem>> -> memref<128xf32, #tpu.memory_space<vmem>>
        %dma_start3A_126 = arith.constant 1152 : i32
        %dma_start3A_127 = tpu.memref_slice %arg6[%dma_start3A_126] : memref<2048xi32, #tpu.memory_space<vmem>> -> memref<128xi32, #tpu.memory_space<vmem>>
        %dma_start3A_128 = arith.constant 0 : i32
        %dma_start3A_129 = tpu.memref_slice %arg2[%dma_start3A_128] : memref<83279872xf32, #tpu.memory_space<hbm>> -> memref<83279872xf32, #tpu.memory_space<hbm>>
        tpu.enqueue_indirect_dma source(%dma_start3A_129 : memref<83279872xf32, #tpu.memory_space<hbm>>) target(%dma_start3A_125 : memref<128xf32, #tpu.memory_space<vmem>>) offsets(%dma_start3A_127 : memref<128xi32, #tpu.memory_space<vmem>>) semaphore(%arg9 : memref<!tpu.dma_semaphore, #tpu.memory_space<semaphore_mem>>)
        %mul3A_130 = arith.constant 2048 : i32
        %mul3A_131 = arith.muli %scan3A_25, %mul3A_130 : i32
        %add3A_132 = arith.constant 1280 : i32
        %add3A_133 = arith.addi %mul3A_131, %add3A_132 : i32
        %dma_start3A_134 = tpu.memref_slice %arg7[%add3A_133] : memref<106496xf32, #tpu.memory_space<vmem>> -> memref<128xf32, #tpu.memory_space<vmem>>
        %dma_start3A_135 = arith.constant 1280 : i32
        %dma_start3A_136 = tpu.memref_slice %arg6[%dma_start3A_135] : memref<2048xi32, #tpu.memory_space<vmem>> -> memref<128xi32, #tpu.memory_space<vmem>>
        %dma_start3A_137 = arith.constant 0 : i32
        %dma_start3A_138 = tpu.memref_slice %arg2[%dma_start3A_137] : memref<83279872xf32, #tpu.memory_space<hbm>> -> memref<83279872xf32, #tpu.memory_space<hbm>>
        tpu.enqueue_indirect_dma source(%dma_start3A_138 : memref<83279872xf32, #tpu.memory_space<hbm>>) target(%dma_start3A_134 : memref<128xf32, #tpu.memory_space<vmem>>) offsets(%dma_start3A_136 : memref<128xi32, #tpu.memory_space<vmem>>) semaphore(%arg9 : memref<!tpu.dma_semaphore, #tpu.memory_space<semaphore_mem>>)
        %mul3A_139 = arith.constant 2048 : i32
        %mul3A_140 = arith.muli %scan3A_25, %mul3A_139 : i32
        %add3A_141 = arith.constant 1408 : i32
        %add3A_142 = arith.addi %mul3A_140, %add3A_141 : i32
        %dma_start3A_143 = tpu.memref_slice %arg7[%add3A_142] : memref<106496xf32, #tpu.memory_space<vmem>> -> memref<128xf32, #tpu.memory_space<vmem>>
        %dma_start3A_144 = arith.constant 1408 : i32
        %dma_start3A_145 = tpu.memref_slice %arg6[%dma_start3A_144] : memref<2048xi32, #tpu.memory_space<vmem>> -> memref<128xi32, #tpu.memory_space<vmem>>
        %dma_start3A_146 = arith.constant 0 : i32
        %dma_start3A_147 = tpu.memref_slice %arg2[%dma_start3A_146] : memref<83279872xf32, #tpu.memory_space<hbm>> -> memref<83279872xf32, #tpu.memory_space<hbm>>
        tpu.enqueue_indirect_dma source(%dma_start3A_147 : memref<83279872xf32, #tpu.memory_space<hbm>>) target(%dma_start3A_143 : memref<128xf32, #tpu.memory_space<vmem>>) offsets(%dma_start3A_145 : memref<128xi32, #tpu.memory_space<vmem>>) semaphore(%arg9 : memref<!tpu.dma_semaphore, #tpu.memory_space<semaphore_mem>>)
        %mul3A_148 = arith.constant 2048 : i32
        %mul3A_149 = arith.muli %scan3A_25, %mul3A_148 : i32
        %add3A_150 = arith.constant 1536 : i32
        %add3A_151 = arith.addi %mul3A_149, %add3A_150 : i32
        %dma_start3A_152 = tpu.memref_slice %arg7[%add3A_151] : memref<106496xf32, #tpu.memory_space<vmem>> -> memref<128xf32, #tpu.memory_space<vmem>>
        %dma_start3A_153 = arith.constant 1536 : i32
        %dma_start3A_154 = tpu.memref_slice %arg6[%dma_start3A_153] : memref<2048xi32, #tpu.memory_space<vmem>> -> memref<128xi32, #tpu.memory_space<vmem>>
        %dma_start3A_155 = arith.constant 0 : i32
        %dma_start3A_156 = tpu.memref_slice %arg2[%dma_start3A_155] : memref<83279872xf32, #tpu.memory_space<hbm>> -> memref<83279872xf32, #tpu.memory_space<hbm>>
        tpu.enqueue_indirect_dma source(%dma_start3A_156 : memref<83279872xf32, #tpu.memory_space<hbm>>) target(%dma_start3A_152 : memref<128xf32, #tpu.memory_space<vmem>>) offsets(%dma_start3A_154 : memref<128xi32, #tpu.memory_space<vmem>>) semaphore(%arg9 : memref<!tpu.dma_semaphore, #tpu.memory_space<semaphore_mem>>)
        %mul3A_157 = arith.constant 2048 : i32
        %mul3A_158 = arith.muli %scan3A_25, %mul3A_157 : i32
        %add3A_159 = arith.constant 1664 : i32
        %add3A_160 = arith.addi %mul3A_158, %add3A_159 : i32
        %dma_start3A_161 = tpu.memref_slice %arg7[%add3A_160] : memref<106496xf32, #tpu.memory_space<vmem>> -> memref<128xf32, #tpu.memory_space<vmem>>
        %dma_start3A_162 = arith.constant 1664 : i32
        %dma_start3A_163 = tpu.memref_slice %arg6[%dma_start3A_162] : memref<2048xi32, #tpu.memory_space<vmem>> -> memref<128xi32, #tpu.memory_space<vmem>>
        %dma_start3A_164 = arith.constant 0 : i32
        %dma_start3A_165 = tpu.memref_slice %arg2[%dma_start3A_164] : memref<83279872xf32, #tpu.memory_space<hbm>> -> memref<83279872xf32, #tpu.memory_space<hbm>>
        tpu.enqueue_indirect_dma source(%dma_start3A_165 : memref<83279872xf32, #tpu.memory_space<hbm>>) target(%dma_start3A_161 : memref<128xf32, #tpu.memory_space<vmem>>) offsets(%dma_start3A_163 : memref<128xi32, #tpu.memory_space<vmem>>) semaphore(%arg9 : memref<!tpu.dma_semaphore, #tpu.memory_space<semaphore_mem>>)
        %mul3A_166 = arith.constant 2048 : i32
        %mul3A_167 = arith.muli %scan3A_25, %mul3A_166 : i32
        %add3A_168 = arith.constant 1792 : i32
        %add3A_169 = arith.addi %mul3A_167, %add3A_168 : i32
        %dma_start3A_170 = tpu.memref_slice %arg7[%add3A_169] : memref<106496xf32, #tpu.memory_space<vmem>> -> memref<128xf32, #tpu.memory_space<vmem>>
        %dma_start3A_171 = arith.constant 1792 : i32
        %dma_start3A_172 = tpu.memref_slice %arg6[%dma_start3A_171] : memref<2048xi32, #tpu.memory_space<vmem>> -> memref<128xi32, #tpu.memory_space<vmem>>
        %dma_start3A_173 = arith.constant 0 : i32
        %dma_start3A_174 = tpu.memref_slice %arg2[%dma_start3A_173] : memref<83279872xf32, #tpu.memory_space<hbm>> -> memref<83279872xf32, #tpu.memory_space<hbm>>
        tpu.enqueue_indirect_dma source(%dma_start3A_174 : memref<83279872xf32, #tpu.memory_space<hbm>>) target(%dma_start3A_170 : memref<128xf32, #tpu.memory_space<vmem>>) offsets(%dma_start3A_172 : memref<128xi32, #tpu.memory_space<vmem>>) semaphore(%arg9 : memref<!tpu.dma_semaphore, #tpu.memory_space<semaphore_mem>>)
        %mul3A_175 = arith.constant 2048 : i32
        %mul3A_176 = arith.muli %scan3A_25, %mul3A_175 : i32
        %add3A_177 = arith.constant 1920 : i32
        %add3A_178 = arith.addi %mul3A_176, %add3A_177 : i32
        %dma_start3A_179 = tpu.memref_slice %arg7[%add3A_178] : memref<106496xf32, #tpu.memory_space<vmem>> -> memref<128xf32, #tpu.memory_space<vmem>>
        %dma_start3A_180 = arith.constant 1920 : i32
        %dma_start3A_181 = tpu.memref_slice %arg6[%dma_start3A_180] : memref<2048xi32, #tpu.memory_space<vmem>> -> memref<128xi32, #tpu.memory_space<vmem>>
        %dma_start3A_182 = arith.constant 0 : i32
        %dma_start3A_183 = tpu.memref_slice %arg2[%dma_start3A_182] : memref<83279872xf32, #tpu.memory_space<hbm>> -> memref<83279872xf32, #tpu.memory_space<hbm>>
        tpu.enqueue_indirect_dma source(%dma_start3A_183 : memref<83279872xf32, #tpu.memory_space<hbm>>) target(%dma_start3A_179 : memref<128xf32, #tpu.memory_space<vmem>>) offsets(%dma_start3A_181 : memref<128xi32, #tpu.memory_space<vmem>>) semaphore(%arg9 : memref<!tpu.dma_semaphore, #tpu.memory_space<semaphore_mem>>)
      } else {
      }
    }
    %scan3A_9 = arith.constant 52 : i32
    %dma_wait3A = arith.constant 0 : i32
    %dma_wait3A_10 = tpu.memref_slice %arg7[%dma_wait3A] : memref<106496xf32, #tpu.memory_space<vmem>> -> memref<2048xf32, #tpu.memory_space<vmem>>
    %dma_wait3A_11 = arith.constant 0 : i32
    %dma_wait3A_12 = tpu.memref_slice %arg2[%dma_wait3A_11] : memref<83279872xf32, #tpu.memory_space<hbm>> -> memref<2048xf32, #tpu.memory_space<hbm>>
    %dma_wait3A_13 = arith.constant 0 : i32
    %dma_wait3A_14 = tpu.memref_slice %arg7[%dma_wait3A_13] : memref<106496xf32, #tpu.memory_space<vmem>> -> memref<2048xf32, #tpu.memory_space<vmem>>
    %dma_wait3A_15 = arith.constant 0 : i32
    %dma_wait3A_16 = tpu.memref_slice %arg2[%dma_wait3A_15] : memref<83279872xf32, #tpu.memory_space<hbm>> -> memref<2048xf32, #tpu.memory_space<hbm>>
    tpu.wait_dma2 semaphore(%arg8 : memref<!tpu.dma_semaphore, #tpu.memory_space<semaphore_mem>>) src(%dma_wait3A_16 : memref<2048xf32, #tpu.memory_space<hbm>>) dst(%dma_wait3A_14 : memref<2048xf32, #tpu.memory_space<vmem>>)
    %dma_wait3A_17 = arith.constant 0 : i32
    %dma_wait3A_18 = tpu.memref_slice %arg7[%dma_wait3A_17] : memref<106496xf32, #tpu.memory_space<vmem>> -> memref<2048xf32, #tpu.memory_space<vmem>>
    %dma_wait3A_19 = arith.constant 0 : i32
    %dma_wait3A_20 = tpu.memref_slice %arg2[%dma_wait3A_19] : memref<83279872xf32, #tpu.memory_space<hbm>> -> memref<2048xf32, #tpu.memory_space<hbm>>
    %dma_wait3A_21 = arith.constant 0 : i32
    %dma_wait3A_22 = tpu.memref_slice %arg7[%dma_wait3A_21] : memref<106496xf32, #tpu.memory_space<vmem>> -> memref<2048xf32, #tpu.memory_space<vmem>>
    %dma_wait3A_23 = arith.constant 0 : i32
    %dma_wait3A_24 = tpu.memref_slice %arg2[%dma_wait3A_23] : memref<83279872xf32, #tpu.memory_space<hbm>> -> memref<2048xf32, #tpu.memory_space<hbm>>
    tpu.wait_dma2 semaphore(%arg9 : memref<!tpu.dma_semaphore, #tpu.memory_space<semaphore_mem>>) src(%dma_wait3A_24 : memref<2048xf32, #tpu.memory_space<hbm>>) dst(%dma_wait3A_22 : memref<2048xf32, #tpu.memory_space<vmem>>)
    "tpu.region"() ({
      %run_scoped3A = tpu.sem_alloc : memref<!tpu.dma_semaphore, #tpu.memory_space<semaphore_mem>>
      %dma_start3A = tpu.memref_slice %arg4[%mul3A_4] : memref<3407872xf32, #tpu.memory_space<hbm>> -> memref<106496xf32, #tpu.memory_space<hbm>>
      %dma_start3A_25 = tpu.memref_slice %arg4[%mul3A_4] : memref<3407872xf32, #tpu.memory_space<hbm>> -> memref<106496xf32, #tpu.memory_space<hbm>>
      tpu.enqueue_dma source(%arg7 : memref<106496xf32, #tpu.memory_space<vmem>>) target(%dma_start3A_25 : memref<106496xf32, #tpu.memory_space<hbm>>) target_semaphore(%run_scoped3A : memref<!tpu.dma_semaphore, #tpu.memory_space<semaphore_mem>>)
      %dma_wait3A_26 = tpu.memref_slice %arg4[%mul3A_4] : memref<3407872xf32, #tpu.memory_space<hbm>> -> memref<106496xf32, #tpu.memory_space<hbm>>
      %dma_wait3A_27 = tpu.memref_slice %arg4[%mul3A_4] : memref<3407872xf32, #tpu.memory_space<hbm>> -> memref<106496xf32, #tpu.memory_space<hbm>>
      tpu.wait_dma2 semaphore(%run_scoped3A : memref<!tpu.dma_semaphore, #tpu.memory_space<semaphore_mem>>) src(%arg7 : memref<106496xf32, #tpu.memory_space<vmem>>) dst(%dma_wait3A_27 : memref<106496xf32, #tpu.memory_space<hbm>>)
      tpu.yield
    }) : () -> ()
    return
  }
}

module attributes {stable_mosaic.version = 14 : i64} {
  func.func @body(%arg0: i32, %arg1: i32, %arg2: memref<1x8x100000xf32, #tpu.memory_space<vmem>>, %arg3: memref<6256x128xf32, #tpu.memory_space<vmem>>) attributes {dimension_semantics = [#tpu.dimension_semantics<arbitrary>, #tpu.dimension_semantics<arbitrary>], iteration_bounds = array<i64: 26, 4>, scalar_prefetch = 0 : i64, scratch_operands = 0 : i64, tpu.core_type = #tpu.core_type<tc>, window_params = [{transform_indices = @transform_0, window_bounds = array<i64: 1, 8, 100000>}, {transform_indices = @transform_1, window_bounds = array<i64: 6256, 128>}]} {
    %get3A = arith.constant 0 : index
    %get3A_0 = arith.constant 0 : index
    %get3A_1 = arith.constant 0 : index
    %get3A_2 = vector.load %arg2[%get3A, %get3A_0, %get3A_1] : memref<1x8x100000xf32, #tpu.memory_space<vmem>>, vector<1x8x100000xf32>
    %get3A_3 = vector.shape_cast %get3A_2 : vector<1x8x100000xf32> to vector<8x100000xf32>
    %slice3A = vector.extract_strided_slice %get3A_3 {offsets = [0, 0], sizes = [1, 100000], strides = [1, 1]} : vector<8x100000xf32> to vector<1x100000xf32>
    %squeeze3A = vector.shape_cast %slice3A : vector<1x100000xf32> to vector<100000xf32>
    %slice3A_4 = vector.extract_strided_slice %squeeze3A {offsets = [0], sizes = [99968], strides = [1]} : vector<100000xf32> to vector<99968xf32>
    %reshape3A = vector.shape_cast %slice3A_4 : vector<99968xf32> to vector<781x128xf32>
    %swap3A = arith.constant 0 : index
    %swap3A_5 = arith.constant 0 : index
    %swap3A_6 = vector.load %arg3[%swap3A, %swap3A_5] : memref<6256x128xf32, #tpu.memory_space<vmem>>, vector<781x128xf32>
    tpu.vector_store %arg3[%swap3A, %swap3A_5], %reshape3A {strides = array<i32>} : memref<6256x128xf32, #tpu.memory_space<vmem>>, vector<781x128xf32>,
    %slice3A_7 = vector.extract_strided_slice %squeeze3A {offsets = [99968], sizes = [32], strides = [1]} : vector<100000xf32> to vector<32xf32>
    %swap3A_8 = arith.constant 781 : index
    %swap3A_9 = arith.constant 0 : index
    %swap3A_10 = vector.load %arg3[%swap3A_8, %swap3A_9] : memref<6256x128xf32, #tpu.memory_space<vmem>>, vector<1x32xf32>
    %swap3A_11 = vector.shape_cast %swap3A_10 : vector<1x32xf32> to vector<32xf32>
    %swap3A_12 = vector.shape_cast %slice3A_7 : vector<32xf32> to vector<1x32xf32>
    tpu.vector_store %arg3[%swap3A_8, %swap3A_9], %swap3A_12 {strides = array<i32>} : memref<6256x128xf32, #tpu.memory_space<vmem>>, vector<1x32xf32>,
    %slice3A_13 = vector.extract_strided_slice %get3A_3 {offsets = [1, 0], sizes = [1, 100000], strides = [1, 1]} : vector<8x100000xf32> to vector<1x100000xf32>
    %squeeze3A_14 = vector.shape_cast %slice3A_13 : vector<1x100000xf32> to vector<100000xf32>
    %slice3A_15 = vector.extract_strided_slice %squeeze3A_14 {offsets = [0], sizes = [99968], strides = [1]} : vector<100000xf32> to vector<99968xf32>
    %reshape3A_16 = vector.shape_cast %slice3A_15 : vector<99968xf32> to vector<781x128xf32>
    %swap3A_17 = arith.constant 782 : index
    %swap3A_18 = arith.constant 0 : index
    %swap3A_19 = vector.load %arg3[%swap3A_17, %swap3A_18] : memref<6256x128xf32, #tpu.memory_space<vmem>>, vector<781x128xf32>
    tpu.vector_store %arg3[%swap3A_17, %swap3A_18], %reshape3A_16 {strides = array<i32>} : memref<6256x128xf32, #tpu.memory_space<vmem>>, vector<781x128xf32>,
    %slice3A_20 = vector.extract_strided_slice %squeeze3A_14 {offsets = [99968], sizes = [32], strides = [1]} : vector<100000xf32> to vector<32xf32>
    %swap3A_21 = arith.constant 1563 : index
    %swap3A_22 = arith.constant 0 : index
    %swap3A_23 = vector.load %arg3[%swap3A_21, %swap3A_22] : memref<6256x128xf32, #tpu.memory_space<vmem>>, vector<1x32xf32>
    %swap3A_24 = vector.shape_cast %swap3A_23 : vector<1x32xf32> to vector<32xf32>
    %swap3A_25 = vector.shape_cast %slice3A_20 : vector<32xf32> to vector<1x32xf32>
    tpu.vector_store %arg3[%swap3A_21, %swap3A_22], %swap3A_25 {strides = array<i32>} : memref<6256x128xf32, #tpu.memory_space<vmem>>, vector<1x32xf32>,
    %slice3A_26 = vector.extract_strided_slice %get3A_3 {offsets = [2, 0], sizes = [1, 100000], strides = [1, 1]} : vector<8x100000xf32> to vector<1x100000xf32>
    %squeeze3A_27 = vector.shape_cast %slice3A_26 : vector<1x100000xf32> to vector<100000xf32>
    %slice3A_28 = vector.extract_strided_slice %squeeze3A_27 {offsets = [0], sizes = [99968], strides = [1]} : vector<100000xf32> to vector<99968xf32>
    %reshape3A_29 = vector.shape_cast %slice3A_28 : vector<99968xf32> to vector<781x128xf32>
    %swap3A_30 = arith.constant 1564 : index
    %swap3A_31 = arith.constant 0 : index
    %swap3A_32 = vector.load %arg3[%swap3A_30, %swap3A_31] : memref<6256x128xf32, #tpu.memory_space<vmem>>, vector<781x128xf32>
    tpu.vector_store %arg3[%swap3A_30, %swap3A_31], %reshape3A_29 {strides = array<i32>} : memref<6256x128xf32, #tpu.memory_space<vmem>>, vector<781x128xf32>,
    %slice3A_33 = vector.extract_strided_slice %squeeze3A_27 {offsets = [99968], sizes = [32], strides = [1]} : vector<100000xf32> to vector<32xf32>
    %swap3A_34 = arith.constant 2345 : index
    %swap3A_35 = arith.constant 0 : index
    %swap3A_36 = vector.load %arg3[%swap3A_34, %swap3A_35] : memref<6256x128xf32, #tpu.memory_space<vmem>>, vector<1x32xf32>
    %swap3A_37 = vector.shape_cast %swap3A_36 : vector<1x32xf32> to vector<32xf32>
    %swap3A_38 = vector.shape_cast %slice3A_33 : vector<32xf32> to vector<1x32xf32>
    tpu.vector_store %arg3[%swap3A_34, %swap3A_35], %swap3A_38 {strides = array<i32>} : memref<6256x128xf32, #tpu.memory_space<vmem>>, vector<1x32xf32>,
    %slice3A_39 = vector.extract_strided_slice %get3A_3 {offsets = [3, 0], sizes = [1, 100000], strides = [1, 1]} : vector<8x100000xf32> to vector<1x100000xf32>
    %squeeze3A_40 = vector.shape_cast %slice3A_39 : vector<1x100000xf32> to vector<100000xf32>
    %slice3A_41 = vector.extract_strided_slice %squeeze3A_40 {offsets = [0], sizes = [99968], strides = [1]} : vector<100000xf32> to vector<99968xf32>
    %reshape3A_42 = vector.shape_cast %slice3A_41 : vector<99968xf32> to vector<781x128xf32>
    %swap3A_43 = arith.constant 2346 : index
    %swap3A_44 = arith.constant 0 : index
    %swap3A_45 = vector.load %arg3[%swap3A_43, %swap3A_44] : memref<6256x128xf32, #tpu.memory_space<vmem>>, vector<781x128xf32>
    tpu.vector_store %arg3[%swap3A_43, %swap3A_44], %reshape3A_42 {strides = array<i32>} : memref<6256x128xf32, #tpu.memory_space<vmem>>, vector<781x128xf32>,
    %slice3A_46 = vector.extract_strided_slice %squeeze3A_40 {offsets = [99968], sizes = [32], strides = [1]} : vector<100000xf32> to vector<32xf32>
    %swap3A_47 = arith.constant 3127 : index
    %swap3A_48 = arith.constant 0 : index
    %swap3A_49 = vector.load %arg3[%swap3A_47, %swap3A_48] : memref<6256x128xf32, #tpu.memory_space<vmem>>, vector<1x32xf32>
    %swap3A_50 = vector.shape_cast %swap3A_49 : vector<1x32xf32> to vector<32xf32>
    %swap3A_51 = vector.shape_cast %slice3A_46 : vector<32xf32> to vector<1x32xf32>
    tpu.vector_store %arg3[%swap3A_47, %swap3A_48], %swap3A_51 {strides = array<i32>} : memref<6256x128xf32, #tpu.memory_space<vmem>>, vector<1x32xf32>,
    %slice3A_52 = vector.extract_strided_slice %get3A_3 {offsets = [4, 0], sizes = [1, 100000], strides = [1, 1]} : vector<8x100000xf32> to vector<1x100000xf32>
    %squeeze3A_53 = vector.shape_cast %slice3A_52 : vector<1x100000xf32> to vector<100000xf32>
    %slice3A_54 = vector.extract_strided_slice %squeeze3A_53 {offsets = [0], sizes = [99968], strides = [1]} : vector<100000xf32> to vector<99968xf32>
    %reshape3A_55 = vector.shape_cast %slice3A_54 : vector<99968xf32> to vector<781x128xf32>
    %swap3A_56 = arith.constant 3128 : index
    %swap3A_57 = arith.constant 0 : index
    %swap3A_58 = vector.load %arg3[%swap3A_56, %swap3A_57] : memref<6256x128xf32, #tpu.memory_space<vmem>>, vector<781x128xf32>
    tpu.vector_store %arg3[%swap3A_56, %swap3A_57], %reshape3A_55 {strides = array<i32>} : memref<6256x128xf32, #tpu.memory_space<vmem>>, vector<781x128xf32>,
    %slice3A_59 = vector.extract_strided_slice %squeeze3A_53 {offsets = [99968], sizes = [32], strides = [1]} : vector<100000xf32> to vector<32xf32>
    %swap3A_60 = arith.constant 3909 : index
    %swap3A_61 = arith.constant 0 : index
    %swap3A_62 = vector.load %arg3[%swap3A_60, %swap3A_61] : memref<6256x128xf32, #tpu.memory_space<vmem>>, vector<1x32xf32>
    %swap3A_63 = vector.shape_cast %swap3A_62 : vector<1x32xf32> to vector<32xf32>
    %swap3A_64 = vector.shape_cast %slice3A_59 : vector<32xf32> to vector<1x32xf32>
    tpu.vector_store %arg3[%swap3A_60, %swap3A_61], %swap3A_64 {strides = array<i32>} : memref<6256x128xf32, #tpu.memory_space<vmem>>, vector<1x32xf32>,
    %slice3A_65 = vector.extract_strided_slice %get3A_3 {offsets = [5, 0], sizes = [1, 100000], strides = [1, 1]} : vector<8x100000xf32> to vector<1x100000xf32>
    %squeeze3A_66 = vector.shape_cast %slice3A_65 : vector<1x100000xf32> to vector<100000xf32>
    %slice3A_67 = vector.extract_strided_slice %squeeze3A_66 {offsets = [0], sizes = [99968], strides = [1]} : vector<100000xf32> to vector<99968xf32>
    %reshape3A_68 = vector.shape_cast %slice3A_67 : vector<99968xf32> to vector<781x128xf32>
    %swap3A_69 = arith.constant 3910 : index
    %swap3A_70 = arith.constant 0 : index
    %swap3A_71 = vector.load %arg3[%swap3A_69, %swap3A_70] : memref<6256x128xf32, #tpu.memory_space<vmem>>, vector<781x128xf32>
    tpu.vector_store %arg3[%swap3A_69, %swap3A_70], %reshape3A_68 {strides = array<i32>} : memref<6256x128xf32, #tpu.memory_space<vmem>>, vector<781x128xf32>,
    %slice3A_72 = vector.extract_strided_slice %squeeze3A_66 {offsets = [99968], sizes = [32], strides = [1]} : vector<100000xf32> to vector<32xf32>
    %swap3A_73 = arith.constant 4691 : index
    %swap3A_74 = arith.constant 0 : index
    %swap3A_75 = vector.load %arg3[%swap3A_73, %swap3A_74] : memref<6256x128xf32, #tpu.memory_space<vmem>>, vector<1x32xf32>
    %swap3A_76 = vector.shape_cast %swap3A_75 : vector<1x32xf32> to vector<32xf32>
    %swap3A_77 = vector.shape_cast %slice3A_72 : vector<32xf32> to vector<1x32xf32>
    tpu.vector_store %arg3[%swap3A_73, %swap3A_74], %swap3A_77 {strides = array<i32>} : memref<6256x128xf32, #tpu.memory_space<vmem>>, vector<1x32xf32>,
    %slice3A_78 = vector.extract_strided_slice %get3A_3 {offsets = [6, 0], sizes = [1, 100000], strides = [1, 1]} : vector<8x100000xf32> to vector<1x100000xf32>
    %squeeze3A_79 = vector.shape_cast %slice3A_78 : vector<1x100000xf32> to vector<100000xf32>
    %slice3A_80 = vector.extract_strided_slice %squeeze3A_79 {offsets = [0], sizes = [99968], strides = [1]} : vector<100000xf32> to vector<99968xf32>
    %reshape3A_81 = vector.shape_cast %slice3A_80 : vector<99968xf32> to vector<781x128xf32>
    %swap3A_82 = arith.constant 4692 : index
    %swap3A_83 = arith.constant 0 : index
    %swap3A_84 = vector.load %arg3[%swap3A_82, %swap3A_83] : memref<6256x128xf32, #tpu.memory_space<vmem>>, vector<781x128xf32>
    tpu.vector_store %arg3[%swap3A_82, %swap3A_83], %reshape3A_81 {strides = array<i32>} : memref<6256x128xf32, #tpu.memory_space<vmem>>, vector<781x128xf32>,
    %slice3A_85 = vector.extract_strided_slice %squeeze3A_79 {offsets = [99968], sizes = [32], strides = [1]} : vector<100000xf32> to vector<32xf32>
    %swap3A_86 = arith.constant 5473 : index
    %swap3A_87 = arith.constant 0 : index
    %swap3A_88 = vector.load %arg3[%swap3A_86, %swap3A_87] : memref<6256x128xf32, #tpu.memory_space<vmem>>, vector<1x32xf32>
    %swap3A_89 = vector.shape_cast %swap3A_88 : vector<1x32xf32> to vector<32xf32>
    %swap3A_90 = vector.shape_cast %slice3A_85 : vector<32xf32> to vector<1x32xf32>
    tpu.vector_store %arg3[%swap3A_86, %swap3A_87], %swap3A_90 {strides = array<i32>} : memref<6256x128xf32, #tpu.memory_space<vmem>>, vector<1x32xf32>,
    %slice3A_91 = vector.extract_strided_slice %get3A_3 {offsets = [7, 0], sizes = [1, 100000], strides = [1, 1]} : vector<8x100000xf32> to vector<1x100000xf32>
    %squeeze3A_92 = vector.shape_cast %slice3A_91 : vector<1x100000xf32> to vector<100000xf32>
    %slice3A_93 = vector.extract_strided_slice %squeeze3A_92 {offsets = [0], sizes = [99968], strides = [1]} : vector<100000xf32> to vector<99968xf32>
    %reshape3A_94 = vector.shape_cast %slice3A_93 : vector<99968xf32> to vector<781x128xf32>
    %swap3A_95 = arith.constant 5474 : index
    %swap3A_96 = arith.constant 0 : index
    %swap3A_97 = vector.load %arg3[%swap3A_95, %swap3A_96] : memref<6256x128xf32, #tpu.memory_space<vmem>>, vector<781x128xf32>
    tpu.vector_store %arg3[%swap3A_95, %swap3A_96], %reshape3A_94 {strides = array<i32>} : memref<6256x128xf32, #tpu.memory_space<vmem>>, vector<781x128xf32>,
    %slice3A_98 = vector.extract_strided_slice %squeeze3A_92 {offsets = [99968], sizes = [32], strides = [1]} : vector<100000xf32> to vector<32xf32>
    %swap3A_99 = arith.constant 6255 : index
    %swap3A_100 = arith.constant 0 : index
    %swap3A_101 = vector.load %arg3[%swap3A_99, %swap3A_100] : memref<6256x128xf32, #tpu.memory_space<vmem>>, vector<1x32xf32>
    %swap3A_102 = vector.shape_cast %swap3A_101 : vector<1x32xf32> to vector<32xf32>
    %swap3A_103 = vector.shape_cast %slice3A_98 : vector<32xf32> to vector<1x32xf32>
    tpu.vector_store %arg3[%swap3A_99, %swap3A_100], %swap3A_103 {strides = array<i32>} : memref<6256x128xf32, #tpu.memory_space<vmem>>, vector<1x32xf32>,
    return
  }
  func.func @transform_0(%arg0: i32, %arg1: i32) -> (i32, i32, i32) {
    %c0_i32 = arith.constant 0 : i32
    %c0_i32_0 = arith.constant 0 : i32
    return %arg0, %arg1, %c0_i32 : i32, i32, i32
  }
  func.func @transform_1(%arg0: i32, %arg1: i32) -> (i32, i32) {
    %mul3A = arith.constant 4 : i32
    %mul3A_0 = arith.muli %arg0, %mul3A : i32
    %add3A = arith.addi %mul3A_0, %arg1 : i32
    %c0_i32 = arith.constant 0 : i32
    %c0_i32_1 = arith.constant 0 : i32
    return %add3A, %c0_i32 : i32, i32
  }
}

module attributes {stable_mosaic.version = 14 : i64} {
  func.func @_tc_body(%arg0: i32, %arg1: memref<512x13xf32, #tpu.memory_space<vmem>>, %arg2: memref<512x832xbf16, #tpu.memory_space<vmem>>, %arg3: memref<13x512xbf16, #tpu.memory_space<vmem>>, %arg4: memref<1x512xf32, #tpu.memory_space<vmem>>, %arg5: memref<512x256xbf16, #tpu.memory_space<vmem>>, %arg6: memref<1x256xf32, #tpu.memory_space<vmem>>, %arg7: memref<256x32xbf16, #tpu.memory_space<vmem>>, %arg8: memref<1x32xf32, #tpu.memory_space<vmem>>, %arg9: memref<32x1024xbf16, #tpu.memory_space<vmem>>, %arg10: memref<729x1024xbf16, #tpu.memory_space<vmem>>, %arg11: memref<1x1024xf32, #tpu.memory_space<vmem>>, %arg12: memref<1024x1024xbf16, #tpu.memory_space<vmem>>, %arg13: memref<1x1024xf32, #tpu.memory_space<vmem>>, %arg14: memref<1024x512xbf16, #tpu.memory_space<vmem>>, %arg15: memref<1x512xf32, #tpu.memory_space<vmem>>, %arg16: memref<512x256xbf16, #tpu.memory_space<vmem>>, %arg17: memref<1x256xf32, #tpu.memory_space<vmem>>, %arg18: memref<256x1xbf16, #tpu.memory_space<vmem>>, %arg19: memref<1x1xf32, #tpu.memory_space<vmem>>, %arg20: memref<512x1xf32, #tpu.memory_space<vmem>>) attributes {dimension_semantics = [#tpu.dimension_semantics<arbitrary>], iteration_bounds = array<i64: 8>, scalar_prefetch = 0 : i64, scratch_operands = 0 : i64, tpu.core_type = #tpu.core_type<tc>, window_params = [{transform_indices = @transform_0, window_bounds = array<i64: 512, 13>}, {transform_indices = @transform_1, window_bounds = array<i64: 512, 832>}, {pipeline_mode = #tpu.pipeline_mode<synchronous>, transform_indices = @transform_2, window_bounds = array<i64: 13, 512>}, {pipeline_mode = #tpu.pipeline_mode<synchronous>, transform_indices = @transform_3, window_bounds = array<i64: 1, 512>}, {pipeline_mode = #tpu.pipeline_mode<synchronous>, transform_indices = @transform_4, window_bounds = array<i64: 512, 256>}, {pipeline_mode = #tpu.pipeline_mode<synchronous>, transform_indices = @transform_5, window_bounds = array<i64: 1, 256>}, {pipeline_mode = #tpu.pipeline_mode<synchronous>, transform_indices = @transform_6, window_bounds = array<i64: 256, 32>}, {pipeline_mode = #tpu.pipeline_mode<synchronous>, transform_indices = @transform_7, window_bounds = array<i64: 1, 32>}, {pipeline_mode = #tpu.pipeline_mode<synchronous>, transform_indices = @transform_8, window_bounds = array<i64: 32, 1024>}, {pipeline_mode = #tpu.pipeline_mode<synchronous>, transform_indices = @transform_9, window_bounds = array<i64: 729, 1024>}, {pipeline_mode = #tpu.pipeline_mode<synchronous>, transform_indices = @transform_10, window_bounds = array<i64: 1, 1024>}, {pipeline_mode = #tpu.pipeline_mode<synchronous>, transform_indices = @transform_11, window_bounds = array<i64: 1024, 1024>}, {pipeline_mode = #tpu.pipeline_mode<synchronous>, transform_indices = @transform_12, window_bounds = array<i64: 1, 1024>}, {pipeline_mode = #tpu.pipeline_mode<synchronous>, transform_indices = @transform_13, window_bounds = array<i64: 1024, 512>}, {pipeline_mode = #tpu.pipeline_mode<synchronous>, transform_indices = @transform_14, window_bounds = array<i64: 1, 512>}, {pipeline_mode = #tpu.pipeline_mode<synchronous>, transform_indices = @transform_15, window_bounds = array<i64: 512, 256>}, {pipeline_mode = #tpu.pipeline_mode<synchronous>, transform_indices = @transform_16, window_bounds = array<i64: 1, 256>}, {pipeline_mode = #tpu.pipeline_mode<synchronous>, transform_indices = @transform_17, window_bounds = array<i64: 256, 1>}, {pipeline_mode = #tpu.pipeline_mode<synchronous>, transform_indices = @transform_18, window_bounds = array<i64: 1, 1>}, {transform_indices = @transform_19, window_bounds = array<i64: 512, 1>}]} {
    %get3A = arith.constant 0 : index
    %get3A_0 = arith.constant 0 : index
    %get3A_1 = vector.load %arg1[%get3A, %get3A_0] : memref<512x13xf32, #tpu.memory_space<vmem>>, vector<512x13xf32>
    %get3A_2 = arith.constant 0 : index
    %get3A_3 = arith.constant 0 : index
    %get3A_4 = vector.load %arg3[%get3A_2, %get3A_3] : memref<13x512xbf16, #tpu.memory_space<vmem>>, vector<13x512xbf16>
    %convert_element_type3A = arith.truncf %get3A_1 : vector<512x13xf32> to vector<512x13xbf16>
    %dot_general3A = arith.constant dense<0.000000e+00> : vector<512x512xf32>
    %dot_general3A_5 = tpu.matmul %convert_element_type3A, %get3A_4, %dot_general3A {dimension_numbers = #tpu.dot_dimension_numbers<[1], [0], [0], [1], [0, 0, 1, 1], [], []>, transpose_lhs_hint = false} : vector<512x13xbf16>, vector<13x512xbf16>, vector<512x512xf32> -> vector<512x512xf32>
    %get3A_6 = arith.constant 0 : index
    %get3A_7 = arith.constant 0 : index
    %get3A_8 = vector.load %arg4[%get3A_6, %get3A_7] : memref<1x512xf32, #tpu.memory_space<vmem>>, vector<1x512xf32>
    %add3A = vector.broadcast %get3A_8 : vector<1x512xf32> to vector<512x512xf32>
    %add3A_9 = arith.addf %dot_general3A_5, %add3A : vector<512x512xf32>
    %max3A = arith.constant 0.000000e+00 : f32
    %max3A_10 = vector.broadcast %max3A : f32 to vector<512x512xf32>
    %max3A_11 = arith.maximumf %add3A_9, %max3A_10 : vector<512x512xf32>
    %get3A_12 = arith.constant 0 : index
    %get3A_13 = arith.constant 0 : index
    %get3A_14 = vector.load %arg5[%get3A_12, %get3A_13] : memref<512x256xbf16, #tpu.memory_space<vmem>>, vector<512x256xbf16>
    %convert_element_type3A_15 = arith.truncf %max3A_11 : vector<512x512xf32> to vector<512x512xbf16>
    %dot_general3A_16 = arith.constant dense<0.000000e+00> : vector<512x256xf32>
    %dot_general3A_17 = tpu.matmul %convert_element_type3A_15, %get3A_14, %dot_general3A_16 {dimension_numbers = #tpu.dot_dimension_numbers<[1], [0], [0], [1], [0, 0, 1, 1], [], []>, transpose_lhs_hint = false} : vector<512x512xbf16>, vector<512x256xbf16>, vector<512x256xf32> -> vector<512x256xf32>
    %get3A_18 = arith.constant 0 : index
    %get3A_19 = arith.constant 0 : index
    %get3A_20 = vector.load %arg6[%get3A_18, %get3A_19] : memref<1x256xf32, #tpu.memory_space<vmem>>, vector<1x256xf32>
    %add3A_21 = vector.broadcast %get3A_20 : vector<1x256xf32> to vector<512x256xf32>
    %add3A_22 = arith.addf %dot_general3A_17, %add3A_21 : vector<512x256xf32>
    %max3A_23 = arith.constant 0.000000e+00 : f32
    %max3A_24 = vector.broadcast %max3A_23 : f32 to vector<512x256xf32>
    %max3A_25 = arith.maximumf %add3A_22, %max3A_24 : vector<512x256xf32>
    %get3A_26 = arith.constant 0 : index
    %get3A_27 = arith.constant 0 : index
    %get3A_28 = vector.load %arg7[%get3A_26, %get3A_27] : memref<256x32xbf16, #tpu.memory_space<vmem>>, vector<256x32xbf16>
    %convert_element_type3A_29 = arith.truncf %max3A_25 : vector<512x256xf32> to vector<512x256xbf16>
    %dot_general3A_30 = arith.constant dense<0.000000e+00> : vector<512x32xf32>
    %dot_general3A_31 = tpu.matmul %convert_element_type3A_29, %get3A_28, %dot_general3A_30 {dimension_numbers = #tpu.dot_dimension_numbers<[1], [0], [0], [1], [0, 0, 1, 1], [], []>, transpose_lhs_hint = false} : vector<512x256xbf16>, vector<256x32xbf16>, vector<512x32xf32> -> vector<512x32xf32>
    %get3A_32 = arith.constant 0 : index
    %get3A_33 = arith.constant 0 : index
    %get3A_34 = vector.load %arg8[%get3A_32, %get3A_33] : memref<1x32xf32, #tpu.memory_space<vmem>>, vector<1x32xf32>
    %add3A_35 = vector.broadcast %get3A_34 : vector<1x32xf32> to vector<512x32xf32>
    %add3A_36 = arith.addf %dot_general3A_31, %add3A_35 : vector<512x32xf32>
    %max3A_37 = arith.constant 0.000000e+00 : f32
    %max3A_38 = vector.broadcast %max3A_37 : f32 to vector<512x32xf32>
    %max3A_39 = arith.maximumf %add3A_36, %max3A_38 : vector<512x32xf32>
    %convert_element_type3A_40 = arith.truncf %max3A_39 : vector<512x32xf32> to vector<512x32xbf16>
    %get3A_41 = arith.constant 0 : index
    %get3A_42 = arith.constant 0 : index
    %get3A_43 = vector.load %arg2[%get3A_41, %get3A_42] : memref<512x832xbf16, #tpu.memory_space<vmem>>, vector<512x832xbf16>
    %concatenate3A = tpu.concatenate %convert_element_type3A_40, %get3A_43 in 1 : vector<512x32xbf16>, vector<512x832xbf16> -> vector<512x864xbf16>
    %reshape3A = vector.shape_cast %concatenate3A : vector<512x864xbf16> to vector<512x27x32xbf16>
    %dot_general3A_44 = arith.constant dense<0.000000e+00> : vector<512x27x27xf32>
    %dot_general3A_45 = tpu.matmul %reshape3A, %reshape3A, %dot_general3A_44 {dimension_numbers = #tpu.dot_dimension_numbers<[2], [2], [1], [1], [0, 0, 0, 1, 1, 1], [0], [0]>, transpose_lhs_hint = false} : vector<512x27x32xbf16>, vector<512x27x32xbf16>, vector<512x27x27xf32> -> vector<512x27x27xf32>
    %reshape3A_46 = vector.shape_cast %dot_general3A_45 : vector<512x27x27xf32> to vector<512x729xf32>
    %get3A_47 = arith.constant 0 : index
    %get3A_48 = arith.constant 0 : index
    %get3A_49 = vector.load %arg9[%get3A_47, %get3A_48] : memref<32x1024xbf16, #tpu.memory_space<vmem>>, vector<32x1024xbf16>
    %convert_element_type3A_50 = arith.truncf %max3A_39 : vector<512x32xf32> to vector<512x32xbf16>
    %dot_general3A_51 = arith.constant dense<0.000000e+00> : vector<512x1024xf32>
    %dot_general3A_52 = tpu.matmul %convert_element_type3A_50, %get3A_49, %dot_general3A_51 {dimension_numbers = #tpu.dot_dimension_numbers<[1], [0], [0], [1], [0, 0, 1, 1], [], []>, transpose_lhs_hint = false} : vector<512x32xbf16>, vector<32x1024xbf16>, vector<512x1024xf32> -> vector<512x1024xf32>
    %get3A_53 = arith.constant 0 : index
    %get3A_54 = arith.constant 0 : index
    %get3A_55 = vector.load %arg10[%get3A_53, %get3A_54] : memref<729x1024xbf16, #tpu.memory_space<vmem>>, vector<729x1024xbf16>
    %convert_element_type3A_56 = arith.truncf %reshape3A_46 : vector<512x729xf32> to vector<512x729xbf16>
    %dot_general3A_57 = arith.constant dense<0.000000e+00> : vector<512x1024xf32>
    %dot_general3A_58 = tpu.matmul %convert_element_type3A_56, %get3A_55, %dot_general3A_57 {dimension_numbers = #tpu.dot_dimension_numbers<[1], [0], [0], [1], [0, 0, 1, 1], [], []>, transpose_lhs_hint = false} : vector<512x729xbf16>, vector<729x1024xbf16>, vector<512x1024xf32> -> vector<512x1024xf32>
    %add3A_59 = arith.addf %dot_general3A_52, %dot_general3A_58 : vector<512x1024xf32>
    %get3A_60 = arith.constant 0 : index
    %get3A_61 = arith.constant 0 : index
    %get3A_62 = vector.load %arg11[%get3A_60, %get3A_61] : memref<1x1024xf32, #tpu.memory_space<vmem>>, vector<1x1024xf32>
    %add3A_63 = vector.broadcast %get3A_62 : vector<1x1024xf32> to vector<512x1024xf32>
    %add3A_64 = arith.addf %add3A_59, %add3A_63 : vector<512x1024xf32>
    %max3A_65 = arith.constant 0.000000e+00 : f32
    %max3A_66 = vector.broadcast %max3A_65 : f32 to vector<512x1024xf32>
    %max3A_67 = arith.maximumf %add3A_64, %max3A_66 : vector<512x1024xf32>
    %get3A_68 = arith.constant 0 : index
    %get3A_69 = arith.constant 0 : index
    %get3A_70 = vector.load %arg12[%get3A_68, %get3A_69] : memref<1024x1024xbf16, #tpu.memory_space<vmem>>, vector<1024x1024xbf16>
    %convert_element_type3A_71 = arith.truncf %max3A_67 : vector<512x1024xf32> to vector<512x1024xbf16>
    %dot_general3A_72 = arith.constant dense<0.000000e+00> : vector<512x1024xf32>
    %dot_general3A_73 = tpu.matmul %convert_element_type3A_71, %get3A_70, %dot_general3A_72 {dimension_numbers = #tpu.dot_dimension_numbers<[1], [0], [0], [1], [0, 0, 1, 1], [], []>, transpose_lhs_hint = false} : vector<512x1024xbf16>, vector<1024x1024xbf16>, vector<512x1024xf32> -> vector<512x1024xf32>
    %get3A_74 = arith.constant 0 : index
    %get3A_75 = arith.constant 0 : index
    %get3A_76 = vector.load %arg13[%get3A_74, %get3A_75] : memref<1x1024xf32, #tpu.memory_space<vmem>>, vector<1x1024xf32>
    %add3A_77 = vector.broadcast %get3A_76 : vector<1x1024xf32> to vector<512x1024xf32>
    %add3A_78 = arith.addf %dot_general3A_73, %add3A_77 : vector<512x1024xf32>
    %max3A_79 = arith.constant 0.000000e+00 : f32
    %max3A_80 = vector.broadcast %max3A_79 : f32 to vector<512x1024xf32>
    %max3A_81 = arith.maximumf %add3A_78, %max3A_80 : vector<512x1024xf32>
    %get3A_82 = arith.constant 0 : index
    %get3A_83 = arith.constant 0 : index
    %get3A_84 = vector.load %arg14[%get3A_82, %get3A_83] : memref<1024x512xbf16, #tpu.memory_space<vmem>>, vector<1024x512xbf16>
    %convert_element_type3A_85 = arith.truncf %max3A_81 : vector<512x1024xf32> to vector<512x1024xbf16>
    %dot_general3A_86 = arith.constant dense<0.000000e+00> : vector<512x512xf32>
    %dot_general3A_87 = tpu.matmul %convert_element_type3A_85, %get3A_84, %dot_general3A_86 {dimension_numbers = #tpu.dot_dimension_numbers<[1], [0], [0], [1], [0, 0, 1, 1], [], []>, transpose_lhs_hint = false} : vector<512x1024xbf16>, vector<1024x512xbf16>, vector<512x512xf32> -> vector<512x512xf32>
    %get3A_88 = arith.constant 0 : index
    %get3A_89 = arith.constant 0 : index
    %get3A_90 = vector.load %arg15[%get3A_88, %get3A_89] : memref<1x512xf32, #tpu.memory_space<vmem>>, vector<1x512xf32>
    %add3A_91 = vector.broadcast %get3A_90 : vector<1x512xf32> to vector<512x512xf32>
    %add3A_92 = arith.addf %dot_general3A_87, %add3A_91 : vector<512x512xf32>
    %max3A_93 = arith.constant 0.000000e+00 : f32
    %max3A_94 = vector.broadcast %max3A_93 : f32 to vector<512x512xf32>
    %max3A_95 = arith.maximumf %add3A_92, %max3A_94 : vector<512x512xf32>
    %get3A_96 = arith.constant 0 : index
    %get3A_97 = arith.constant 0 : index
    %get3A_98 = vector.load %arg16[%get3A_96, %get3A_97] : memref<512x256xbf16, #tpu.memory_space<vmem>>, vector<512x256xbf16>
    %convert_element_type3A_99 = arith.truncf %max3A_95 : vector<512x512xf32> to vector<512x512xbf16>
    %dot_general3A_100 = arith.constant dense<0.000000e+00> : vector<512x256xf32>
    %dot_general3A_101 = tpu.matmul %convert_element_type3A_99, %get3A_98, %dot_general3A_100 {dimension_numbers = #tpu.dot_dimension_numbers<[1], [0], [0], [1], [0, 0, 1, 1], [], []>, transpose_lhs_hint = false} : vector<512x512xbf16>, vector<512x256xbf16>, vector<512x256xf32> -> vector<512x256xf32>
    %get3A_102 = arith.constant 0 : index
    %get3A_103 = arith.constant 0 : index
    %get3A_104 = vector.load %arg17[%get3A_102, %get3A_103] : memref<1x256xf32, #tpu.memory_space<vmem>>, vector<1x256xf32>
    %add3A_105 = vector.broadcast %get3A_104 : vector<1x256xf32> to vector<512x256xf32>
    %add3A_106 = arith.addf %dot_general3A_101, %add3A_105 : vector<512x256xf32>
    %max3A_107 = arith.constant 0.000000e+00 : f32
    %max3A_108 = vector.broadcast %max3A_107 : f32 to vector<512x256xf32>
    %max3A_109 = arith.maximumf %add3A_106, %max3A_108 : vector<512x256xf32>
    %get3A_110 = arith.constant 0 : index
    %get3A_111 = arith.constant 0 : index
    %get3A_112 = vector.load %arg18[%get3A_110, %get3A_111] : memref<256x1xbf16, #tpu.memory_space<vmem>>, vector<256x1xbf16>
    %convert_element_type3A_113 = arith.truncf %max3A_109 : vector<512x256xf32> to vector<512x256xbf16>
    %dot_general3A_114 = arith.constant dense<0.000000e+00> : vector<512x1xf32>
    %dot_general3A_115 = tpu.matmul %convert_element_type3A_113, %get3A_112, %dot_general3A_114 {dimension_numbers = #tpu.dot_dimension_numbers<[1], [0], [0], [1], [0, 0, 1, 1], [], []>, transpose_lhs_hint = false} : vector<512x256xbf16>, vector<256x1xbf16>, vector<512x1xf32> -> vector<512x1xf32>
    %get3A_116 = arith.constant 0 : index
    %get3A_117 = arith.constant 0 : index
    %get3A_118 = vector.load %arg19[%get3A_116, %get3A_117] : memref<1x1xf32, #tpu.memory_space<vmem>>, vector<1x1xf32>
    %add3A_119 = vector.broadcast %get3A_118 : vector<1x1xf32> to vector<512x1xf32>
    %add3A_120 = arith.addf %dot_general3A_115, %add3A_119 : vector<512x1xf32>
    %swap3A = arith.constant 0 : index
    %swap3A_121 = arith.constant 0 : index
    %swap3A_122 = vector.load %arg20[%swap3A, %swap3A_121] : memref<512x1xf32, #tpu.memory_space<vmem>>, vector<512x1xf32>
    tpu.vector_store %arg20[%swap3A, %swap3A_121], %add3A_120 {strides = array<i32>} : memref<512x1xf32, #tpu.memory_space<vmem>>, vector<512x1xf32>,
    return
  }
  func.func @transform_0(%arg0: i32) -> (i32, i32) {
    %c0_i32 = arith.constant 0 : i32
    %c0_i32_0 = arith.constant 0 : i32
    return %arg0, %c0_i32 : i32, i32
  }
  func.func @transform_1(%arg0: i32) -> (i32, i32) {
    %c0_i32 = arith.constant 0 : i32
    %c0_i32_0 = arith.constant 0 : i32
    return %arg0, %c0_i32 : i32, i32
  }
  func.func @transform_2(%arg0: i32) -> (i32, i32) {
    %c0_i32 = arith.constant 0 : i32
    %c0_i32_0 = arith.constant 0 : i32
    %c0_i32_1 = arith.constant 0 : i32
    return %c0_i32, %c0_i32_0 : i32, i32
  }
  func.func @transform_3(%arg0: i32) -> (i32, i32) {
    %c0_i32 = arith.constant 0 : i32
    %c0_i32_0 = arith.constant 0 : i32
    %c0_i32_1 = arith.constant 0 : i32
    return %c0_i32, %c0_i32_0 : i32, i32
  }
  func.func @transform_4(%arg0: i32) -> (i32, i32) {
    %c0_i32 = arith.constant 0 : i32
    %c0_i32_0 = arith.constant 0 : i32
    %c0_i32_1 = arith.constant 0 : i32
    return %c0_i32, %c0_i32_0 : i32, i32
  }
  func.func @transform_5(%arg0: i32) -> (i32, i32) {
    %c0_i32 = arith.constant 0 : i32
    %c0_i32_0 = arith.constant 0 : i32
    %c0_i32_1 = arith.constant 0 : i32
    return %c0_i32, %c0_i32_0 : i32, i32
  }
  func.func @transform_6(%arg0: i32) -> (i32, i32) {
    %c0_i32 = arith.constant 0 : i32
    %c0_i32_0 = arith.constant 0 : i32
    %c0_i32_1 = arith.constant 0 : i32
    return %c0_i32, %c0_i32_0 : i32, i32
  }
  func.func @transform_7(%arg0: i32) -> (i32, i32) {
    %c0_i32 = arith.constant 0 : i32
    %c0_i32_0 = arith.constant 0 : i32
    %c0_i32_1 = arith.constant 0 : i32
    return %c0_i32, %c0_i32_0 : i32, i32
  }
  func.func @transform_8(%arg0: i32) -> (i32, i32) {
    %c0_i32 = arith.constant 0 : i32
    %c0_i32_0 = arith.constant 0 : i32
    %c0_i32_1 = arith.constant 0 : i32
    return %c0_i32, %c0_i32_0 : i32, i32
  }
  func.func @transform_9(%arg0: i32) -> (i32, i32) {
    %c0_i32 = arith.constant 0 : i32
    %c0_i32_0 = arith.constant 0 : i32
    %c0_i32_1 = arith.constant 0 : i32
    return %c0_i32, %c0_i32_0 : i32, i32
  }
  func.func @transform_10(%arg0: i32) -> (i32, i32) {
    %c0_i32 = arith.constant 0 : i32
    %c0_i32_0 = arith.constant 0 : i32
    %c0_i32_1 = arith.constant 0 : i32
    return %c0_i32, %c0_i32_0 : i32, i32
  }
  func.func @transform_11(%arg0: i32) -> (i32, i32) {
    %c0_i32 = arith.constant 0 : i32
    %c0_i32_0 = arith.constant 0 : i32
    %c0_i32_1 = arith.constant 0 : i32
    return %c0_i32, %c0_i32_0 : i32, i32
  }
  func.func @transform_12(%arg0: i32) -> (i32, i32) {
    %c0_i32 = arith.constant 0 : i32
    %c0_i32_0 = arith.constant 0 : i32
    %c0_i32_1 = arith.constant 0 : i32
    return %c0_i32, %c0_i32_0 : i32, i32
  }
  func.func @transform_13(%arg0: i32) -> (i32, i32) {
    %c0_i32 = arith.constant 0 : i32
    %c0_i32_0 = arith.constant 0 : i32
    %c0_i32_1 = arith.constant 0 : i32
    return %c0_i32, %c0_i32_0 : i32, i32
  }
  func.func @transform_14(%arg0: i32) -> (i32, i32) {
    %c0_i32 = arith.constant 0 : i32
    %c0_i32_0 = arith.constant 0 : i32
    %c0_i32_1 = arith.constant 0 : i32
    return %c0_i32, %c0_i32_0 : i32, i32
  }
  func.func @transform_15(%arg0: i32) -> (i32, i32) {
    %c0_i32 = arith.constant 0 : i32
    %c0_i32_0 = arith.constant 0 : i32
    %c0_i32_1 = arith.constant 0 : i32
    return %c0_i32, %c0_i32_0 : i32, i32
  }
  func.func @transform_16(%arg0: i32) -> (i32, i32) {
    %c0_i32 = arith.constant 0 : i32
    %c0_i32_0 = arith.constant 0 : i32
    %c0_i32_1 = arith.constant 0 : i32
    return %c0_i32, %c0_i32_0 : i32, i32
  }
  func.func @transform_17(%arg0: i32) -> (i32, i32) {
    %c0_i32 = arith.constant 0 : i32
    %c0_i32_0 = arith.constant 0 : i32
    %c0_i32_1 = arith.constant 0 : i32
    return %c0_i32, %c0_i32_0 : i32, i32
  }
  func.func @transform_18(%arg0: i32) -> (i32, i32) {
    %c0_i32 = arith.constant 0 : i32
    %c0_i32_0 = arith.constant 0 : i32
    %c0_i32_1 = arith.constant 0 : i32
    return %c0_i32, %c0_i32_0 : i32, i32
  }
  func.func @transform_19(%arg0: i32) -> (i32, i32) {
    %c0_i32 = arith.constant 0 : i32
    %c0_i32_0 = arith.constant 0 : i32
    return %arg0, %c0_i32 : i32, i32
  }
}

</mosaic_0001>

<sc_bundles>
// kernel: kernel.5.cloned.1.call-start
scs
__scs_entry_jumppad:
0x0: {  	(pc) =	sbr.rel $0x88, $3  }
0x1: {  	(tag) =	ssettag $0x0;
	lr =	simm.s32 $0x1  }
0x2: {  	[smem:$0x3F8E] =	sst lr;
	_ =	strace $0xD0000000  }
0x3: {  	_ = 	snop  }
0x4: {  	_ = 	snop  }
0x5: {  	_ = 	snop  }
0x6: {  	_ = 	snop  }
0x7: {  	_ = 	snop  }
__scs_overlays_trampoline_lowered:
0x8: {  	[smem:$0x3F9D] =	sst s0  }
0x9: {  	[smem:$0x3F9E] =	sst s1  }
0xa: {  	[smem:$0x3F9F] =	sst s2  }
0xb: {  	[smem:$0x3FA0] =	sst s3  }
0xc: {  	[smem:$0x3FA1] =	sst s4  }
0xd: {  	[smem:$0x3FA2] =	sst s5  }
0xe: {  	[smem:$0x3FA3] =	sst s6  }
0xf: {  	[smem:$0x3FA4] =	sst s7  }
0x10: {  	[smem:$0x3FA5] =	sst s8  }
0x11: {  	[smem:$0x3FA6] =	sst s9;
	s0 =	simm.s32 @!p0 $0x0  }
0x12: {  	s1 =	sld [smem:$0x3F8C];
	s0 =	simm.s32 @p0 $0x1  }
0x13: {  	[smem:$0x3FA7] =	sst s0;
	s0 =	simm.s32 @!p1 $0x0  }
0x14: {  	s2 =	sld [smem:$0x3F8B];
	s0 =	simm.s32 @p1 $0x1  }
0x15: {  	[smem:$0x3FA8] =	sst s0;
	s0 =	simm.s32 @!p2 $0x0  }
0x16: {  	s3 =	sld [smem:$0x3FDB];
	s0 =	simm.s32 @p2 $0x1  }
0x17: {  	s4 =	simm.s32 $0x1BF5;
	[smem:$0x3FAA] =	sst s0  }
0x18: {  	s0 =	sld [smem:$0x3F8D];
	_ =	swait.ge [sflag:s4], $0x0  }
0x19: {  	s7 =	sld [smem:$0x3F8E]  }
0x1a: {  	s8 =	sadd.s32 $0xFFFFE003, lr  }
0x1b: {  	s9 =	sadd.s32 $0xFFFFFEF7, lr;
	s5 =	simm.s32 $0xFFFFFFFF;
	p2 =	slt.u32 s8, $0xFFFFF086  }
0x1c: {  	p1 =	slt.u32 s9, $0xF7A;
	s5 =	simm.s32 @!p2 $0x0  }
0x1d: {  	s5 =	simm.s32 @p1 $0x1;
	p0 =	seq.s32 s7, s2  }
0x1e: {  	s7 =	smul.u32 @!p0 $0xF7A, s2;
	p2 =	seq.s32 @!p0 s5, $0x0  }
0x1f: {  	s9 =	smul.u32 $0xF7A, s1;
	s8 =	simm.s32 @!p0 $0x1BF5;
	p2 =	por !p2, p0  }
0x20: {  	[sflag:s8] =	ssyncset.s32 @!p0 $0xFFFFF086;
	s6 =	sadd.s32 @!p0 s3, s7;
	s7 =	simm.s32 @!p0 $0x108  }
0x21: {  	s3 =	sadd.s32 s3, s9;
	s6 =	sadd.s32 @!p0 $0x88, s6;
	s7 =	simm.s32 @p2 $0x1082  }
0x22: {  	[simem:s7], [sflag:s8] =	dma.local @!p0 [hbm:s6], $0xF7A  }
0x23: {  	s9 =	sor.u32 $0xD0000000, s2;
	s6 =	simm.s32 $0x108;
	_ =	swait.ge @!p0 [sflag:s8], $0x0  }
0x24: {  	s3 =	sadd.s32 $0x88, s3;
	s6 =	simm.s32 @!p1 $0x1082;
	[sflag:s4] =	ssyncset.s32 $0xFFFFF086  }
0x25: {  	[simem:s6], [sflag:s4] =	dma.local [hbm:s3], $0xF7A  }
0x26: {  	[smem:$0x3F8E] =	sst s1;
	(tag) =	ssettag s2;
	_ =	strace s9  }
0x27: {  	s1 =	sld [smem:$0x3F9E]  }
0x28: {  	s2 =	sld [smem:$0x3F9F]  }
0x29: {  	s4 =	sld [smem:$0x3FA1]  }
0x2a: {  	p0 =	seq.s32 s5, $0x0;
	s5 =	sld [smem:$0x3FA2]  }
0x2b: {  	s6 =	sld [smem:$0x3FA3]  }
0x2c: {  	s7 =	sld [smem:$0x3FA4]  }
0x2d: {  	s3 =	simm.s32 $0x108;
	s8 =	sld [smem:$0x3FA5]  }
0x2e: {  	s3 =	simm.s32 @!p0 $0x1082;
	s9 =	sld [smem:$0x3FA6]  }
0x2f: {  	lr =	sadd.s32 s0, s3;
	s0 =	sld [smem:$0x3F9D]  }
0x30: {  	s3 =	sld [smem:$0x3FA0]  }
0x31: {  	[smem:$0x3FA9] =	sst s10  }
0x32: {  	s10 =	sld [smem:$0x3FA7];
	_ =	sdelay $0x3  }
0x33: {  	p0 =	seq.s32 s10, $0x1;
	s10 =	sld [smem:$0x3FA9];
	_ =	sdelay $0x3  }
0x34: {  	[smem:$0x3FA9] =	sst s10  }
0x35: {  	s10 =	sld [smem:$0x3FA8];
	_ =	sdelay $0x3  }
0x36: {  	p1 =	seq.s32 s10, $0x1;
	s10 =	sld [smem:$0x3FA9];
	_ =	sdelay $0x3  }
0x37: {  	[smem:$0x3FA9] =	sst s10  }
0x38: {  	s10 =	sld [smem:$0x3FAA]  }
0x39: {  	_ = 	snop;
	(pc) =	sbr.ind lr, $3  }
0x3a: {  	_ = 	snop  }
0x3b: {  	_ = 	snop  }
0x3c: {  	p2 =	seq.s32 s10, $0x1;
	s10 =	sld [smem:$0x3FA9]  }
0x3d: {  	_ =	shalt  }
0x3e: {  	_ =	shalt  }
0x3f: {  	_ =	shalt  }
0x40: {  	_ =	shalt  }
0x41: {  	_ =	shalt  }
0x42: {  	_ =	shalt  }
0x43: {  	_ =	shalt  }
0x44: {  	_ =	shalt  }
0x45: {  	_ =	shalt  }
0x46: {  	_ =	shalt  }
0x47: {  	_ =	shalt  }
0x48: {  	_ =	shalt  }
0x49: {  	_ =	shalt  }
0x4a: {  	_ =	shalt  }
0x4b: {  	_ =	shalt  }
0x4c: {  	_ =	shalt  }
0x4d: {  	_ =	shalt  }
0x4e: {  	_ =	shalt  }
0x4f: {  	_ =	shalt  }
0x50: {  	_ =	shalt  }
0x51: {  	_ =	shalt  }
0x52: {  	_ =	shalt  }
0x53: {  	_ =	shalt  }
0x54: {  	_ =	shalt  }
0x55: {  	_ =	shalt  }
0x56: {  	_ =	shalt  }
0x57: {  	_ =	shalt  }
0x58: {  	_ =	shalt  }
0x59: {  	_ =	shalt  }
0x5a: {  	_ =	shalt  }
0x5b: {  	_ =	shalt  }
0x5c: {  	_ =	shalt  }
0x5d: {  	_ =	shalt  }
0x5e: {  	_ =	shalt  }
0x5f: {  	_ =	shalt  }
0x60: {  	_ =	shalt  }
0x61: {  	_ =	shalt  }
0x62: {  	_ =	shalt  }
0x63: {  	_ =	shalt  }
0x64: {  	_ =	shalt  }
0x65: {  	_ =	shalt  }
0x66: {  	_ =	shalt  }
0x67: {  	_ =	shalt  }
0x68: {  	_ =	shalt  }
0x69: {  	_ =	shalt  }
0x6a: {  	_ =	shalt  }
0x6b: {  	_ =	shalt  }
0x6c: {  	_ =	shalt  }
0x6d: {  	_ =	shalt  }
0x6e: {  	_ =	shalt  }
0x6f: {  	_ =	shalt  }
0x70: {  	_ =	shalt  }
0x71: {  	_ =	shalt  }
0x72: {  	_ =	shalt  }
0x73: {  	_ =	shalt  }
0x74: {  	_ =	shalt  }
0x75: {  	_ =	shalt  }
0x76: {  	_ =	shalt  }
0x77: {  	_ =	shalt  }
0x78: {  	_ =	shalt  }
0x79: {  	_ =	shalt  }
0x7a: {  	_ =	shalt  }
0x7b: {  	_ =	shalt  }
0x7c: {  	_ =	shalt  }
0x7d: {  	_ =	shalt  }
0x7e: {  	_ =	shalt  }
0x7f: {  	_ =	shalt  }
0x80: {  	_ =	shalt  }
0x81: {  	_ =	shalt  }
0x82: {  	_ =	shalt  }
0x83: {  	_ =	shalt  }
0x84: {  	_ =	shalt  }
0x85: {  	_ =	shalt  }
0x86: {  	_ =	shalt  }
0x87: {  	_ =	shalt  }
.Lfunc_end0:
.L_simem_size_0:
called_computation_lowered:
.L_overlay_start_0:
0x88: {  	s2 =	sld [smem:$0x3FD9]  }
0x89: {  	s3 =	sld [smem:$0x3FFE];
	_ =	sdelay $0x1  }
0x8a: {  	s1 =	srdreg.scid  }
0x8b: {  	s0 =	sand.u32 $0x1, s1  }
0x8c: {  	s16 =	sshll.u32 s0, $0xA;
	s2 =	sadd.s32 s3, s2  }
0x8d: {  	s2 =	sadd.s32 s2, s16  }
0x8e: {  	[smem:$0x3FB5] =	sst s2  }
0x8f: {  	_ = 	snop  }
0x90: {  	(tm) =	ssettm $0x1  }
0x91: {  	s17 =	sld [smem:$0x3FFB];
	_ =	sdelay $0x3  }
0x92: {  	_ =	strace s17  }
0x93: {  	s2 =	sld [smem:$0x3FFC];
	_ =	sdelay $0x3  }
0x94: {  	_ =	strace s2  }
0x95: {  	s2 =	sld [smem:$0x3FFD];
	_ =	sdelay $0x3  }
0x96: {  	_ =	strace s2  }
0x97: {  	_ =	strace $0x8FFFFFFF  }
0x98: {  	s18 =	sld [smem:$0x3FDB];
	_ =	sdelay $0x1  }
0x99: {  	s19 =	simm.s32 $_scs_section_size  }
0x9a: {  	s4 =	simm.s32 $_size__tile_overlayer_lowered;
	s5 =	simm.s32 $_tile_overlayer_lowered  }
0x9b: {  	s22 =	simm.s32 $0x1BFF;
	s21 =	sshll.u32 s5, $0x1;
	s2 =	sadd.s32 s19, s18  }
0x9c: {  	s6 =	simm.s32 $0x0;
	s20 =	sshll.u32 s4, $0x1;
	s4 =	sadd.s32 s21, s2  }
0x9d: {  	[timem:s6], [sflag:s22] =	dma.local [hbm:s4], s20  }
0x9e: {  	_ =	swait.ge [sflag:s22], s20  }
0x9f: {  	s3 =	ssub.s32 $0x0, s20;
	[sflag:s22] =	ssyncset.done $0x0  }
0xa0: {  	[sflag:s22] =	ssyncadd.s32 s3;
	_ =	sdelay $0x1  }
0xa1: {  	s23 =	simm.s32 $0x1B8B  }
0xa2: {  	_ =	swait.ge [sflag:s23], $0x1  }
0xa3: {  	[sflag:s23] =	ssyncset.done $0x0  }
0xa4: {  	s25 =	simm.s32 $0x1B8E;
	s24 =	sld [smem:$0x3FFE];
	[sflag:s23] =	ssyncadd.s32 $0xFFFFFFFF  }
0xa5: {  	s26 =	simm.s32 $execute0_lowered;
	[smem:$0x3FD2] =	sst s25  }
0xa6: {  	s4 =	sshll.u32 s26, $0x1;
	_ =	strace $0x80000046;
	[dreg:$0x1] =	wrdreg $0xFFFFFFFF  }
0xa7: {  	s28 =	simm.s32 $_size_execute0_lowered;
	s2 =	sadd.s32 s2, s4;
	[dreg:$0x0] =	wrdreg $0x0  }
0xa8: {  	s4 =	sshll.u32 s28, $0x1;
	[dreg:$0x2] =	wrdreg s2  }
0xa9: {  	[dreg:$0x3] =	wrdreg s4  }
0xaa: {  	[dreg:$0x4] =	wrdreg $0xC0  }
0xab: {  	_ =	task [dreg:s6], $0x5FFFF  }
0xac: {  	[dreg:$0x1] =	wrdreg $0xFFFFFFFF  }
0xad: {  	[dreg:$0x0] =	wrdreg $0x60  }
0xae: {  	[dreg:$0x2] =	wrdreg s24  }
0xaf: {  	[dreg:$0x3] =	wrdreg $0x9  }
0xb0: {  	_ =	task.clear_ibuf [dreg:s6], $0x4FFFF;
	_ =	strace $0x90000046  }
0xb1: {  	s29 =	simm.s32 $0x9;
	_ =	strace $0x80000048  }
0xb2: {  	_ =	swait.ge [sflag:s29], $0x1  }
0xb3: {  	[sflag:s29] =	ssyncadd.s32 $0xFFFFFFFF  }
0xb4: {  	_ =	strace $0x90000048  }
0xb5: {  	_ =	sfence  }
0xb6: {  	s30 =	sld [smem:$0x0];
	_ =	sdelay $0x2  }
0xb7: {  	s31 =	sshll.u32 s1, $0xD;
	s1 =	sshrl.u32 s1, $0x2  }
0xb8: {  	s3 =	sand.u32 $0x4000, s31;
	s1 =	sadd.s32 s1, s30  }
0xb9: {  	s0 =	sor.u32 s3, s0;
	s1 =	sshll.u32 s1, $0x11  }
0xba: {  	s0 =	sor.u32 s1, s0  }
0xbb: {  	s0 =	sadd.s32 $0x8F2B, s0  }
0xbc: {  	[sflag:s0] =	ssyncadd.remote.s32 $0x1  }
0xbd: {  	_ =	sfence.sel $0xFFFF  }
0xbe: {  	[dreg:$0x0] =	wrdreg $0xFFFFFFFF;
	(pc) =	sbr.abs _section_cstart, $3  }
0xbf: {  	[dreg:$0x1] =	wrdreg $0xFFFFFFFF  }
0xc0: {  	_ =	task.clear_ibuf [dreg:s6], $0x2FFFF;
	_ =	strace $0x9FFFFFFF  }
0xc1: {  	(tm) =	ssettm $0x7FFFFFFF  }
tec
execute0_lowered:
.L_overlay_start_1:
0x0: {  	(tag) =	ssettag $0x1  }
0x1: {  	s0 =	rddreg [dreg:$0x0];
	s2 =	simm.s32 $0x0;
	s1 =	srdreg.scid  }
0x2: {  	s3 =	stileid.u32;
	s7 =	simm.s32 $0x800;
	s8 =	simm.s32 $0x3  }
0x3: {  	s9 =	simm.s32 $0x80;
	s20 =	simm.s32 $0xD80;
	s21 =	simm.s32 $0xE00  }
0x4: {  	s22 =	simm.s32 $0xE80;
	s29 =	simm.s32 $0x100;
	s30 =	simm.s32 $0x180  }
0x5: {  	s31 =	simm.s32 $0x200;
	s28 =	simm.s32 $0x380;
	s10 =	simm.s32 $0x680  }
0x6: {  	s11 =	simm.s32 $0x700;
	s12 =	simm.s32 $0x780;
	s13 =	simm.s32 $0x0  }
0x7: {  	s1 =	sand.u32 $0x1, s1;
	s4 =	smul.u32 $0x34000, s3;
	s3 =	sshll.u32 s3, $0x1  }
0x8: {  	[smem:$0x7FF] =	sst s2;
	s5 =	smul.u32 $0x1A000, s1;
	s3 =	sor.u32 s1, s3  }
0x9: {  	_ =	strace $0x80000047;
	s1 =	ssub.s32 $0x2, s1;
	s6 =	smul.u32 $0x1A000, s3  }
0xa: {  	s3 =	sadd.s32 $0xD2200, s0;
	s24 =	sshrl.u32 s1, $0x1;
	s4 =	sadd.s32 s5, s4  }
0xb: {  	s1 =	ssub.s32 s1, s24;
	s24 =	simm.s32 $0xF80;
	s5 =	simm.s32 $0x480  }
0xc: {  	s4 =	sshrl.u32 s4, $0x3;
	s23 =	sshrl.u32 s6, $0x3;
	s25 =	smax.u32 s1, $0x1  }
.Ltmp0:
0xd: {  	s1 =	simm.s32 $0x300;
	s6 =	simm.s32 $0x500;
	(pc) =	sbr.rel .LBB2_1-.Ltmp0, $4  }
0xe: {  	s4 =	sadd.s32 s4, s0;
	s0 =	sadd.s32 s23, s0;
	[dreg:$0x3] =	wrdreg s25  }
0xf: {  	s23 =	simm.s32 $0xF00;
	s25 =	simm.s32 $0x580;
	s0 =	sadd.s32 $0x2200, s0  }
0x10: {  	s26 =	sadd.s32 $0xABFA00, s4;
	s4 =	simm.s32 $0x400;
	[dreg:$0x2] =	wrdreg s0  }
0x11: {  	[dreg:$0x4] =	wrdreg s26;
	s0 =	simm.s32 $0x280;
	s26 =	simm.s32 $0x600  }
.LBB2_6:
0x12: {  	s14 =	simm.s32 $0x1  }
0x13: {  	_ =	swait.ge [sflag:s14], $0x800  }
0x14: {  	[sflag:s14] =	ssyncset.done $0x0  }
0x15: {  	s17 =	simm.s32 $0x2;
	[sflag:s14] =	ssyncadd.s32 $0xFFFFF800  }
0x16: {  	_ =	swait.ge [sflag:s17], $0x800  }
0x17: {  	[sflag:s17] =	ssyncset.done $0x0  }
0x18: {  	s15 =	simm.s32 $0x1000;
	s18 =	rddreg [dreg:$0x2];
	[sflag:s17] =	ssyncadd.s32 $0xFFFFF800  }
0x19: {  	[hbm4b:s18+s2] =	stream.linear.scatter [tilespmem:s15], [sflag:$0x3], $0x1A000, $0x38;
	[tilespmem:$0x1B000] =	vst v63  }
0x1a: {  	_ =	swait.ge [sflag:s8], $0x1A000  }
0x1b: {  	s13 =	sadd.s32 $0x1, s13;
	s19 =	rddreg [dreg:$0x3]  }
0x1c: {  	p0 =	sne.s32 s13, s19  }
.Ltmp1:
0x1d: {  	_ = 	snop;
	(pc) =	sbr.rel @!p0 .LBB2_7-.Ltmp1, $3  }
0x1e: {  	_ =	sdelay $0x1  }
0x1f: {  	[sflag:s8] =	ssyncset.done $0x0  }
0x20: {  	[sflag:s8] =	ssyncadd.s32 $0xFFFE6000  }
.LBB2_1:
.Ltmp2:
0x21: {  	(pc) =	sbr.rel .LBB2_2-.Ltmp2, $2  }
0x22: {  	_ =	sdelay $0x2  }
0x23: {  	s14 =	rddreg [dreg:$0x4];
	s15 =	simm.s32 $0x0;
	s16 =	simm.s32 $0x0  }
.LBB2_4:
0x24: {  	s17 =	simm.s32 @!p0 $0x2  }
0x25: {  	_ =	swait.ge @!p0 [sflag:s17], $0x800  }
0x26: {  	[sflag:s17] =	ssyncset.done @!p0 $0x0  }
0x27: {  	[sflag:s17] =	ssyncadd.s32 @!p0 $0xFFFFF800  }
0x28: {  	[tilespmem:s7], [sflag:$0x3] =	stream.linear.gather [hbm4b:s14+s2], $0x800, $0x38;
	[tilespmem:$0x1B000] =	vst v63  }
0x29: {  	_ =	swait.ge [sflag:s8], $0x800  }
0x2a: {  	s17 =	sshra.s32 s15, $0x2;
	[sflag:s8] =	ssyncset.done $0x0  }
0x2b: {  	s18 =	sadd.s32 $0x1000, s17;
	[sflag:s8] =	ssyncadd.s32 $0xFFFFF800  }
0x2c: {  	[tilespmem:s18], [sflag:$0x2] =	stream.indirect.gather [hbm4b:s3+s9], $0x1, s7, s9, $0xb8;
	[tilespmem:$0x1B000] =	vst v63  }
0x2d: {  	s19 =	simm.s32 $0x880;
	s18 =	sadd.s32 $0x1080, s17  }
0x2e: {  	[tilespmem:s18], [sflag:$0x2] =	stream.indirect.gather [hbm4b:s3+s9], $0x1, s19, s9, $0xb8;
	[tilespmem:$0x1B000] =	vst v63  }
0x2f: {  	s18 =	sadd.s32 $0x1100, s17;
	s19 =	simm.s32 $0x900  }
0x30: {  	[tilespmem:s18], [sflag:$0x2] =	stream.indirect.gather [hbm4b:s3+s9], $0x1, s19, s9, $0xb8;
	[tilespmem:$0x1B000] =	vst v63  }
0x31: {  	s18 =	sadd.s32 $0x1180, s17;
	s19 =	simm.s32 $0x980  }
0x32: {  	[tilespmem:s18], [sflag:$0x2] =	stream.indirect.gather [hbm4b:s3+s9], $0x1, s19, s9, $0xb8;
	[tilespmem:$0x1B000] =	vst v63  }
0x33: {  	s18 =	sadd.s32 $0x1200, s17;
	s19 =	simm.s32 $0xA00  }
0x34: {  	[tilespmem:s18], [sflag:$0x2] =	stream.indirect.gather [hbm4b:s3+s9], $0x1, s19, s9, $0xb8;
	[tilespmem:$0x1B000] =	vst v63  }
0x35: {  	s18 =	sadd.s32 $0x1280, s17;
	s19 =	simm.s32 $0xA80  }
0x36: {  	[tilespmem:s18], [sflag:$0x2] =	stream.indirect.gather [hbm4b:s3+s9], $0x1, s19, s9, $0xb8;
	[tilespmem:$0x1B000] =	vst v63  }
0x37: {  	s18 =	sadd.s32 $0x1300, s17;
	s19 =	simm.s32 $0xB00  }
0x38: {  	[tilespmem:s18], [sflag:$0x2] =	stream.indirect.gather [hbm4b:s3+s9], $0x1, s19, s9, $0xb8;
	[tilespmem:$0x1B000] =	vst v63  }
0x39: {  	s18 =	sadd.s32 $0x1380, s17;
	s19 =	simm.s32 $0xB80  }
0x3a: {  	[tilespmem:s18], [sflag:$0x2] =	stream.indirect.gather [hbm4b:s3+s9], $0x1, s19, s9, $0xb8;
	[tilespmem:$0x1B000] =	vst v63  }
0x3b: {  	s18 =	sadd.s32 $0x1400, s17;
	s19 =	simm.s32 $0xC00  }
0x3c: {  	[tilespmem:s18], [sflag:$0x2] =	stream.indirect.gather [hbm4b:s3+s9], $0x1, s19, s9, $0xb8;
	[tilespmem:$0x1B000] =	vst v63  }
0x3d: {  	s18 =	sadd.s32 $0x1480, s17;
	s19 =	simm.s32 $0xC80  }
0x3e: {  	[tilespmem:s18], [sflag:$0x2] =	stream.indirect.gather [hbm4b:s3+s9], $0x1, s19, s9, $0xb8;
	[tilespmem:$0x1B000] =	vst v63  }
0x3f: {  	s18 =	sadd.s32 $0x1500, s17;
	s19 =	simm.s32 $0xD00  }
0x40: {  	[tilespmem:s18], [sflag:$0x2] =	stream.indirect.gather [hbm4b:s3+s9], $0x1, s19, s9, $0xb8;
	[tilespmem:$0x1B000] =	vst v63  }
0x41: {  	s19 =	sadd.s32 $0x1580, s17  }
0x42: {  	[tilespmem:s19], [sflag:$0x2] =	stream.indirect.gather [hbm4b:s3+s9], $0x1, s20, s9, $0xb8;
	[tilespmem:$0x1B000] =	vst v63  }
0x43: {  	s19 =	sadd.s32 $0x1600, s17  }
0x44: {  	[tilespmem:s19], [sflag:$0x2] =	stream.indirect.gather [hbm4b:s3+s9], $0x1, s21, s9, $0xb8;
	[tilespmem:$0x1B000] =	vst v63  }
0x45: {  	s19 =	sadd.s32 $0x1680, s17  }
0x46: {  	[tilespmem:s19], [sflag:$0x2] =	stream.indirect.gather [hbm4b:s3+s9], $0x1, s22, s9, $0xb8;
	[tilespmem:$0x1B000] =	vst v63  }
0x47: {  	s19 =	sadd.s32 $0x1700, s17  }
0x48: {  	[tilespmem:s19], [sflag:$0x2] =	stream.indirect.gather [hbm4b:s3+s9], $0x1, s23, s9, $0xb8;
	[tilespmem:$0x1B000] =	vst v63  }
0x49: {  	s17 =	sadd.s32 $0x1780, s17  }
0x4a: {  	[tilespmem:s17], [sflag:$0x2] =	stream.indirect.gather [hbm4b:s3+s9], $0x1, s24, s9, $0xb8;
	[tilespmem:$0x1B000] =	vst v63  }
.LBB2_5:
0x4b: {  	s15 =	sadd.s32 $0x2000, s15  }
0x4c: {  	p0 =	sne.s32 s15, $0x68000  }
.Ltmp3:
0x4d: {  	_ = 	snop;
	(pc) =	sbr.rel @!p0 .LBB2_6-.Ltmp3, $2  }
0x4e: {  	_ =	sdelay $0x2  }
0x4f: {  	s16 =	sadd.s32 $0x1, s16;
	s14 =	sadd.s32 $0x100, s14  }
.LBB2_2:
0x50: {  	s17 =	sand.u32 $0x1, s16  }
0x51: {  	p1 =	seq.s32 s17, $0x1  }
.Ltmp4:
0x52: {  	_ = 	snop;
	(pc) =	sbr.rel @p1 .LBB2_4-.Ltmp4, $2  }
0x53: {  	_ =	sdelay $0x2  }
0x54: {  	p0 =	slt.u32 s16, $0x2  }
0x55: {  	s17 =	simm.s32 @!p0 $0x1  }
0x56: {  	_ =	swait.ge @!p0 [sflag:s17], $0x800  }
0x57: {  	[sflag:s17] =	ssyncset.done @!p0 $0x0  }
0x58: {  	[sflag:s17] =	ssyncadd.s32 @!p0 $0xFFFFF800  }
0x59: {  	[tilespmem:s2], [sflag:$0x3] =	stream.linear.gather [hbm4b:s14+s2], $0x800, $0x38;
	[tilespmem:$0x1B000] =	vst v63  }
0x5a: {  	_ =	swait.ge [sflag:s8], $0x800  }
0x5b: {  	s17 =	sshra.s32 s15, $0x2;
	[sflag:s8] =	ssyncset.done $0x0  }
0x5c: {  	s18 =	sadd.s32 $0x1000, s17;
	[sflag:s8] =	ssyncadd.s32 $0xFFFFF800  }
0x5d: {  	[tilespmem:s18], [sflag:$0x1] =	stream.indirect.gather [hbm4b:s3+s9], $0x1, s2, s9, $0xb8;
	[tilespmem:$0x1B000] =	vst v63  }
0x5e: {  	s19 =	sadd.s32 $0x1080, s17  }
0x5f: {  	[tilespmem:s19], [sflag:$0x1] =	stream.indirect.gather [hbm4b:s3+s9], $0x1, s9, s9, $0xb8;
	[tilespmem:$0x1B000] =	vst v63  }
0x60: {  	s19 =	sadd.s32 $0x1100, s17  }
0x61: {  	[tilespmem:s19], [sflag:$0x1] =	stream.indirect.gather [hbm4b:s3+s9], $0x1, s29, s9, $0xb8;
	[tilespmem:$0x1B000] =	vst v63  }
0x62: {  	s19 =	sadd.s32 $0x1180, s17  }
0x63: {  	[tilespmem:s19], [sflag:$0x1] =	stream.indirect.gather [hbm4b:s3+s9], $0x1, s30, s9, $0xb8;
	[tilespmem:$0x1B000] =	vst v63  }
0x64: {  	s19 =	sadd.s32 $0x1200, s17  }
0x65: {  	[tilespmem:s19], [sflag:$0x1] =	stream.indirect.gather [hbm4b:s3+s9], $0x1, s31, s9, $0xb8;
	[tilespmem:$0x1B000] =	vst v63  }
0x66: {  	s19 =	sadd.s32 $0x1280, s17  }
0x67: {  	[tilespmem:s19], [sflag:$0x1] =	stream.indirect.gather [hbm4b:s3+s9], $0x1, s0, s9, $0xb8;
	[tilespmem:$0x1B000] =	vst v63  }
0x68: {  	s19 =	sadd.s32 $0x1300, s17  }
0x69: {  	[tilespmem:s19], [sflag:$0x1] =	stream.indirect.gather [hbm4b:s3+s9], $0x1, s1, s9, $0xb8;
	[tilespmem:$0x1B000] =	vst v63  }
0x6a: {  	s19 =	sadd.s32 $0x1380, s17  }
0x6b: {  	[tilespmem:s19], [sflag:$0x1] =	stream.indirect.gather [hbm4b:s3+s9], $0x1, s28, s9, $0xb8;
	[tilespmem:$0x1B000] =	vst v63  }
0x6c: {  	s19 =	sadd.s32 $0x1400, s17  }
0x6d: {  	[tilespmem:s19], [sflag:$0x1] =	stream.indirect.gather [hbm4b:s3+s9], $0x1, s4, s9, $0xb8;
	[tilespmem:$0x1B000] =	vst v63  }
0x6e: {  	s19 =	sadd.s32 $0x1480, s17  }
0x6f: {  	[tilespmem:s19], [sflag:$0x1] =	stream.indirect.gather [hbm4b:s3+s9], $0x1, s5, s9, $0xb8;
	[tilespmem:$0x1B000] =	vst v63  }
0x70: {  	s19 =	sadd.s32 $0x1500, s17  }
0x71: {  	[tilespmem:s19], [sflag:$0x1] =	stream.indirect.gather [hbm4b:s3+s9], $0x1, s6, s9, $0xb8;
	[tilespmem:$0x1B000] =	vst v63  }
0x72: {  	s19 =	sadd.s32 $0x1580, s17  }
0x73: {  	[tilespmem:s19], [sflag:$0x1] =	stream.indirect.gather [hbm4b:s3+s9], $0x1, s25, s9, $0xb8;
	[tilespmem:$0x1B000] =	vst v63  }
0x74: {  	s19 =	sadd.s32 $0x1600, s17  }
0x75: {  	[tilespmem:s19], [sflag:$0x1] =	stream.indirect.gather [hbm4b:s3+s9], $0x1, s26, s9, $0xb8;
	[tilespmem:$0x1B000] =	vst v63  }
0x76: {  	s19 =	sadd.s32 $0x1680, s17  }
0x77: {  	[tilespmem:s19], [sflag:$0x1] =	stream.indirect.gather [hbm4b:s3+s9], $0x1, s10, s9, $0xb8;
	[tilespmem:$0x1B000] =	vst v63  }
.Ltmp5:
0x78: {  	_ = 	snop;
	(pc) =	sbr.rel .LBB2_5-.Ltmp5, $4  }
0x79: {  	s19 =	sadd.s32 $0x1700, s17  }
0x7a: {  	[tilespmem:s19], [sflag:$0x1] =	stream.indirect.gather [hbm4b:s3+s9], $0x1, s11, s9, $0xb8;
	[tilespmem:$0x1B000] =	vst v63  }
0x7b: {  	s17 =	sadd.s32 $0x1780, s17  }
0x7c: {  	[tilespmem:s17], [sflag:$0x1] =	stream.indirect.gather [hbm4b:s3+s9], $0x1, s12, s9, $0xb8;
	[tilespmem:$0x1B000] =	vst v63  }
.LBB2_7:
0x7d: {  	_ =	sfence.sel $0x180000  }
0x7e: {  	[bflag:$0x0] =	sbarrier.arrive $0xFFFF  }
0x7f: {  	_ =	strace $0x90000047  }
0x80: {  	s0 =	stileid.u32;
	[bflag:$0x2] =	sbarrier.arrive $0xFFFF  }
0x81: {  	p0 =	sne.s32 s0, $0x0;
	s0 =	rddreg [dreg:$0x1]  }
0x82: {  	s0 =	sadd.s32 @!p0 $0x100000, s0  }
0x83: {  	[sflag:s0] =	ssyncadd.tile.s32 @!p0 $0x1;
	_ =	shalt  }
.Lfunc_end2:
_tile_overlayer_lowered:
.L_overlay_start_2:
0x84: {  	(tag) =	ssettag $0x2  }
0x85: {  	s0 =	rddreg [dreg:$0x0];
	s2 =	stileid.u32  }
0x86: {  	s1 =	rddreg [dreg:$0x1];
	p0 =	sne.s32 s2, $0x0  }
0x87: {  	s3 =	rddreg [dreg:$0x2];
	[bflag:$0x3] =	sbarrier.arrive $0xFFFF;
	s2 =	simm.s32 @!p0 $0x1C03  }
0x88: {  	[timem:s3], [sflag:s2] =	dma.local @!p0 [hbm:s0], s1  }
0x89: {  	s0 =	simm.s32 @!p0 $0x3  }
0x8a: {  	_ =	swait.ge @!p0 [sflag:s0], s1  }
0x8b: {  	s1 =	ssub.s32 @!p0 $0x0, s1;
	[sflag:s0] =	ssyncset.done @!p0 $0x0  }
0x8c: {  	[sflag:s0] =	ssyncadd.s32 @!p0 s1  }
0x8d: {  	[bflag:$0x3] =	sbarrier.arrive $0xFFFF  }
0x8e: {  	_ =	shalt  }

</sc_bundles>
